<compile_context>
chip_gen: v7x
topology: tpu7x:2x2x1
jax: 0.10.2.dev20260603
libtpu: 0.0.44.dev20260713+nightly
codegen_flags: <defaults>
</compile_context>

<pallas_src>
import functools

import jax
import jax.numpy as jnp
from jax import lax
from jax.experimental import pallas as pl
from jax.experimental.pallas import tpu as pltpu
from jax.experimental.pallas import tpu_sc as plsc

_NC = 2
_NS = 16
_NW = _NC * _NS
_CW = 4
_L = 16
_EC = 8192


@functools.lru_cache(maxsize=None)
def _deg_kernel(n_pad: int, epw: int):
    mesh = plsc.VectorSubcoreMesh(core_axis_name="c", subcore_axis_name="s")
    acc_len = n_pad

    @functools.partial(
        pl.kernel,
        out_type=jax.ShapeDtypeStruct((_NW * acc_len,), jnp.float32),
        mesh=mesh,
        scratch_types=[
            pltpu.VMEM((epw,), jnp.int32),
            pltpu.VMEM((acc_len,), jnp.float32),
        ],
        compiler_params=pltpu.CompilerParams(needs_layout_passes=False),
    )
    def deg(dst_hbm, out_hbm, dst_v, acc):
        cid = lax.axis_index("c")
        sid = lax.axis_index("s")
        wid = cid * _NS + sid
        pltpu.sync_copy(dst_hbm.at[pl.ds(wid * epw, epw)], dst_v)

        zeros = jnp.zeros((_L,), jnp.float32)

        @pl.loop(0, acc_len // _L)
        def _(i):
            acc[pl.ds(i * _L, _L)] = zeros

        ones = jnp.ones((_L,), jnp.float32)

        @pl.loop(0, epw // _L)
        def _(c):
            plsc.addupdate_scatter(acc, [dst_v[pl.ds(c * _L, _L)]], ones)

        pltpu.sync_copy(acc, out_hbm.at[pl.ds(wid * acc_len, acc_len)])

    return deg


@functools.lru_cache(maxsize=None)
def _prop_kernel(n_pad: int, nchunk: int):
    blk = n_pad * _CW
    mesh = plsc.VectorSubcoreMesh(core_axis_name="c", subcore_axis_name="s")

    @functools.partial(
        pl.kernel,
        out_type=jax.ShapeDtypeStruct((_NW * blk,), jnp.float32),
        mesh=mesh,
        scratch_types=[
            pltpu.VMEM((blk,), jnp.float32),
            pltpu.VMEM((blk,), jnp.float32),
            pltpu.VMEM((_EC,), jnp.int32),
            pltpu.VMEM((_EC,), jnp.int32),
            pltpu.VMEM((_EC,), jnp.int32),
            pltpu.VMEM((_EC,), jnp.int32),
            pltpu.SemaphoreType.DMA,
            pltpu.SemaphoreType.DMA,
        ],
        compiler_params=pltpu.CompilerParams(needs_layout_passes=False),
    )
    def prop(tcb_hbm, src_hbm, dst_hbm, out_hbm, acc, tbl,
             src_v0, dst_v0, src_v1, dst_v1, sem0, sem1):
        cid = lax.axis_index("c")
        sid = lax.axis_index("s")
        base = (cid * _NS + sid) * blk
        pltpu.sync_copy(tcb_hbm.at[pl.ds(base, blk)], acc)

        lane = lax.iota(jnp.int32, _L)
        cpn = lax.bitwise_and(lane, _CW - 1) * n_pad
        grp = lax.shift_right_logical(lane, 2)
        reps = [grp + 4 * q for q in range(4)]
        vconv = cpn + grp

        @pl.loop(0, blk // _L)
        def _(i):
            tbl[pl.ds(i * _L, _L)] = plsc.load_gather(acc, [vconv + 4 * i])

        @pl.loop(0, blk // _L)
        def _(i):
            acc[pl.ds(i * _L, _L)] = tbl[pl.ds(i * _L, _L)]

        def stage(ch, sv, dv, sem):
            pltpu.async_copy(src_hbm.at[pl.ds(ch * _EC, _EC)], sv, sem)
            pltpu.async_copy(dst_hbm.at[pl.ds(ch * _EC, _EC)], dv, sem)

        def stage_wait(sv, dv, sem):
            pltpu.make_async_copy(src_hbm.at[pl.ds(0, _EC)], sv, sem).wait()
            pltpu.make_async_copy(dst_hbm.at[pl.ds(0, _EC)], dv, sem).wait()

        def compute(sv, dv):
            @pl.loop(0, _EC // _L)
            def _(i):
                srcv = sv[pl.ds(i * _L, _L)]
                dstv = dv[pl.ds(i * _L, _L)]
                colpat = lax.bitwise_and(lane, _CW - 1)
                for q in range(4):
                    s_rep = jnp.take_along_axis(srcv, reps[q], axis=0)
                    d_rep = jnp.take_along_axis(dstv, reps[q], axis=0)
                    fs = lax.bitwise_or(s_rep, colpat)
                    fd = lax.bitwise_or(d_rep, colpat)
                    vals = plsc.load_gather(tbl, [fs])
                    plsc.addupdate_scatter(acc, [fd], vals)

        stage(0, src_v0, dst_v0, sem0)

        @pl.loop(0, nchunk, step=2)
        def _(ch):
            stage_wait(src_v0, dst_v0, sem0)

            @pl.when(ch + 1 < nchunk)
            def _():
                stage(ch + 1, src_v1, dst_v1, sem1)

            compute(src_v0, dst_v0)

            @pl.when(ch + 1 < nchunk)
            def _():
                stage_wait(src_v1, dst_v1, sem1)

                @pl.when(ch + 2 < nchunk)
                def _():
                    stage(ch + 2, src_v0, dst_v0, sem0)

                compute(src_v1, dst_v1)

        v4l = lane * 4
        for c in range(_CW):
            @pl.loop(0, n_pad // _L)
            def _(i, c=c):
                tbl[pl.ds(c * n_pad + i * _L, _L)] = plsc.load_gather(
                    acc, [v4l + (i * (_L * 4) + c)])

        pltpu.sync_copy(tbl, out_hbm.at[pl.ds(base, blk)])

    return prop


def _tc_reduce_body(degp_ref, src_ref, dst_ref, degrow_ref, src4_ref,
                    dst4_ref):
    degrow_ref[...] = jnp.sum(degp_ref[...], axis=0, keepdims=True)
    src4_ref[...] = src_ref[...] * 4
    dst4_ref[...] = dst_ref[...] * 4


def _tc_scale_body(deg_ref, x_ref, dinv_ref, xs_ref):
    dinv = lax.rsqrt(deg_ref[...] + 1.0)
    dinv_ref[...] = dinv
    xs_ref[...] = x_ref[...] * dinv


def _tc_mid_body(y_ref, dinv_ref, w1_ref, b1_ref, w2_ref, g_ref):
    z = y_ref[...] * dinv_ref[...]
    h = jnp.dot(z, w1_ref[...], preferred_element_type=jnp.float32)
    h = jnp.maximum(h + b1_ref[...], 0.0)
    g = jnp.dot(h, w2_ref[...], preferred_element_type=jnp.float32)
    g_ref[...] = g * dinv_ref[...]


def _tc_out_body(y_ref, dinv_ref, b2_ref, out_ref):
    out_ref[...] = y_ref[...] * dinv_ref[...] + b2_ref[...]


def _to_cb(a, n_pad):
    del n_pad
    return a.T.reshape(-1)


def _from_cb(a, n_pad):
    return a.reshape(-1, n_pad).T


def kernel(x, adj, W1, b1, W2, b2):
    n, nfeat = x.shape
    nhid = W2.shape[1]
    e = adj.shape[1]

    n_pad = (n // 256 + 1) * 256
    e_pad = -(-e // _EC) * _EC
    nchunk = e_pad // _EC
    epw = e_pad // _NW

    adj = jnp.pad(adj.astype(jnp.int32), ((0, 0), (0, e_pad - e)),
                  constant_values=n_pad - 1)
    srcf = adj[0]
    dstf = adj[1]
    x_pad = jnp.pad(x, ((0, n_pad - n), (0, 0)))

    degp = _deg_kernel(n_pad, epw)(dstf).reshape(_NW, n_pad)

    degrow, src4, dst4 = pl.pallas_call(
        _tc_reduce_body,
        out_shape=[
            jax.ShapeDtypeStruct((1, n_pad), jnp.float32),
            jax.ShapeDtypeStruct((e_pad // 128, 128), jnp.int32),
            jax.ShapeDtypeStruct((e_pad // 128, 128), jnp.int32),
        ],
    )(degp, srcf.reshape(e_pad // 128, 128), dstf.reshape(e_pad // 128, 128))
    src4 = src4.reshape(-1)
    dst4 = dst4.reshape(-1)
    deg_col = degrow.reshape(n_pad, 1)

    dinv, xs = pl.pallas_call(
        _tc_scale_body,
        out_shape=[
            jax.ShapeDtypeStruct((n_pad, 1), jnp.float32),
            jax.ShapeDtypeStruct((n_pad, nfeat), jnp.float32),
        ],
    )(deg_col, x_pad)

    y1 = _from_cb(_prop_kernel(n_pad, nchunk)(_to_cb(xs, n_pad), src4, dst4),
                  n_pad)

    g = pl.pallas_call(
        _tc_mid_body,
        out_shape=jax.ShapeDtypeStruct((n_pad, nhid), jnp.float32),
    )(y1, dinv, W1, b1.reshape(1, -1), W2)

    y2 = _from_cb(_prop_kernel(n_pad, nchunk)(_to_cb(g, n_pad), src4, dst4),
                  n_pad)

    out = pl.pallas_call(
        _tc_out_body,
        out_shape=jax.ShapeDtypeStruct((n_pad, nhid), jnp.float32),
    )(y2, dinv, b2.reshape(1, -1))

    return out[:n]

# --- scband reference (transcript-rebuilt; emitter-appended) ---
"""Pipeline reference for scband-gpn-encoder-73770358276678 (READ-ONLY COPY).

The authoritative reference and input builder live on the scoring server;
editing this copy changes nothing except your own understanding.
"""

import jax, jax.numpy as jnp
import numpy as np

N = 10000
E = 320000
NFEAT = 128
NHID = 128


def setup_inputs(seed: int = 0) -> dict:
    key = jax.random.key(seed)
    k1, k2, k3, k4, k5, k6 = jax.random.split(key, 6)
    x = jax.random.normal(k1, (N, NFEAT), dtype=jnp.float32)
    edge_index = jax.random.randint(k2, (2, E), 0, N).astype(jnp.int64)
    # GCNConv parameters: gc1 (nfeat -> 2*nhid), gc2 (2*nhid -> nhid)
    W1 = jax.random.normal(k3, (NFEAT, 2 * NHID), dtype=jnp.float32) * (1.0 / np.sqrt(NFEAT))
    b1 = jnp.zeros((2 * NHID,), dtype=jnp.float32)
    W2 = jax.random.normal(k4, (2 * NHID, NHID), dtype=jnp.float32) * (1.0 / np.sqrt(2 * NHID))
    b2 = jnp.zeros((NHID,), dtype=jnp.float32)
    return {"x": x, "adj": edge_index, "W1": W1, "b1": b1, "W2": W2, "b2": b2}


def _gcn_conv(x, edge_index, W, b, num_nodes):
    # linear transform first (PyG GCNConv)
    h = x @ W
    src = edge_index[0]
    dst = edge_index[1]
    # add self loops
    loop = jnp.arange(num_nodes, dtype=src.dtype)
    src = jnp.concatenate([src, loop])
    dst = jnp.concatenate([dst, loop])
    # symmetric normalization D^{-1/2} (A+I) D^{-1/2}
    deg = jnp.zeros((num_nodes,), dtype=h.dtype).at[dst].add(1.0)
    deg_inv_sqrt = jnp.where(deg > 0, 1.0 / jnp.sqrt(deg), 0.0)
    norm = deg_inv_sqrt[src] * deg_inv_sqrt[dst]
    # gather messages from src, scale, scatter-add to dst
    msg = h[src] * norm[:, None]
    out = jnp.zeros_like(h).at[dst].add(msg)
    return out + b


def reference(x, adj, W1, b1, W2, b2):
    h = _gcn_conv(x, adj, W1, b1, N)
    h = jax.nn.relu(h)
    # F.dropout with training=False is identity (eval mode)
    out = _gcn_conv(h, adj, W2, b2, N)
    return out

if __name__ == "__main__":
    import jax
    _d = setup_inputs()
    print(jax.jit(kernel)(*tuple(_d.values())))

</pallas_src>

<mosaic_0001>
#map = affine_map<(d0, d1) -> (0)>
module attributes {stable_mosaic.version = 14 : i64} {
  func.func @deg(%arg0: i32, %arg1: i32, %arg2: memref<327680xi32, #tpu.memory_space<hbm>>, %arg3: memref<327680xf32, #tpu.memory_space<hbm>>, %arg4: memref<10240xi32, #tpu.memory_space<vmem>>, %arg5: memref<10240xf32, #tpu.memory_space<vmem>>) attributes {dimension_semantics = [#tpu.dimension_semantics<core_parallel>, #tpu.dimension_semantics<subcore_parallel>], iteration_bounds = array<i64: 2, 16>, scalar_prefetch = 0 : i64, scratch_operands = 2 : i64, tpu.core_type = #tpu.core_type<sc_vector_subcore>, window_params = [{transform_indices = #map}, {transform_indices = #map}]} {
    %mul3A = arith.constant 16 : i32
    %mul3A_0 = arith.muli %arg0, %mul3A : i32
    %add3A = arith.addi %mul3A_0, %arg1 : i32
    %mul3A_1 = arith.constant 10240 : i32
    %mul3A_2 = arith.muli %add3A, %mul3A_1 : i32
    "tpu.region"() ({
      %run_scoped3A = tpu.sem_alloc : memref<!tpu.dma_semaphore, #tpu.memory_space<semaphore_mem>>
      %dma_start3A = tpu.memref_slice %arg2[%mul3A_2] : memref<327680xi32, #tpu.memory_space<hbm>> -> memref<10240xi32, #tpu.memory_space<hbm>>
      %dma_start3A_17 = tpu.memref_slice %arg2[%mul3A_2] : memref<327680xi32, #tpu.memory_space<hbm>> -> memref<10240xi32, #tpu.memory_space<hbm>>
      tpu.enqueue_dma source(%dma_start3A_17 : memref<10240xi32, #tpu.memory_space<hbm>>) target(%arg4 : memref<10240xi32, #tpu.memory_space<vmem>>) target_semaphore(%run_scoped3A : memref<!tpu.dma_semaphore, #tpu.memory_space<semaphore_mem>>)
      %dma_wait3A = tpu.memref_slice %arg2[%mul3A_2] : memref<327680xi32, #tpu.memory_space<hbm>> -> memref<10240xi32, #tpu.memory_space<hbm>>
      %dma_wait3A_18 = tpu.memref_slice %arg2[%mul3A_2] : memref<327680xi32, #tpu.memory_space<hbm>> -> memref<10240xi32, #tpu.memory_space<hbm>>
      tpu.wait_dma2 semaphore(%run_scoped3A : memref<!tpu.dma_semaphore, #tpu.memory_space<semaphore_mem>>) src(%dma_wait3A_18 : memref<10240xi32, #tpu.memory_space<hbm>>) dst(%arg4 : memref<10240xi32, #tpu.memory_space<vmem>>)
      tpu.yield
    }) : () -> ()
    %broadcast_in_dim3A = arith.constant 0.000000e+00 : f32
    %broadcast_in_dim3A_3 = vector.broadcast %broadcast_in_dim3A : f32 to vector<16xf32>
    %scan3A = arith.constant 0 : i32
    %scan3A_4 = arith.constant 640 : i32
    %scan3A_5 = arith.addi %scan3A, %scan3A_4 : i32
    %scan3A_6 = arith.constant 1 : i32
    scf.for %scan3A_17 = %scan3A to %scan3A_5 step %scan3A_6  : i32 {
      %mul3A_18 = arith.constant 1 : i32
      %mul3A_19 = arith.muli %scan3A_17, %mul3A_18 : i32
      %add3A_20 = arith.constant 0 : i32
      %add3A_21 = arith.addi %add3A_20, %mul3A_19 : i32
      %mul3A_22 = arith.constant 16 : i32
      %mul3A_23 = arith.muli %add3A_21, %mul3A_22 : i32
      %swap3A = arith.index_cast %mul3A_23 : i32 to index
      %swap3A_24 = tpu.vector_load %arg5[%swap3A] {strides = array<i32>} : memref<10240xf32, #tpu.memory_space<vmem>>, vector<16xf32>,
      tpu.vector_store %arg5[%swap3A], %broadcast_in_dim3A_3 {strides = array<i32>} : memref<10240xf32, #tpu.memory_space<vmem>>, vector<16xf32>,
    }
    %scan3A_7 = arith.constant 640 : i32
    %broadcast_in_dim3A_8 = arith.constant 1.000000e+00 : f32
    %broadcast_in_dim3A_9 = vector.broadcast %broadcast_in_dim3A_8 : f32 to vector<16xf32>
    %scan3A_10 = arith.constant 0 : i32
    %scan3A_11 = arith.constant 640 : i32
    %scan3A_12 = arith.addi %scan3A_10, %scan3A_11 : i32
    %scan3A_13 = arith.constant 1 : i32
    scf.for %scan3A_17 = %scan3A_10 to %scan3A_12 step %scan3A_13  : i32 {
      %mul3A_18 = arith.constant 1 : i32
      %mul3A_19 = arith.muli %scan3A_17, %mul3A_18 : i32
      %add3A_20 = arith.constant 0 : i32
      %add3A_21 = arith.addi %add3A_20, %mul3A_19 : i32
      %mul3A_22 = arith.constant 16 : i32
      %mul3A_23 = arith.muli %add3A_21, %mul3A_22 : i32
      %get3A = arith.index_cast %mul3A_23 : i32 to index
      %get3A_24 = tpu.vector_load %arg4[%get3A] {strides = array<i32>} : memref<10240xi32, #tpu.memory_space<vmem>>, vector<16xi32>,
      tpu.vector_store_idx %arg5[%get3A_24], %broadcast_in_dim3A_9 {add = true} : memref<10240xf32, #tpu.memory_space<vmem>>[vector<16xi32>], vector<16xf32>,
    }
    %scan3A_14 = arith.constant 640 : i32
    %mul3A_15 = arith.constant 10240 : i32
    %mul3A_16 = arith.muli %add3A, %mul3A_15 : i32
    "tpu.region"() ({
      %run_scoped3A = tpu.sem_alloc : memref<!tpu.dma_semaphore, #tpu.memory_space<semaphore_mem>>
      %dma_start3A = tpu.memref_slice %arg3[%mul3A_16] : memref<327680xf32, #tpu.memory_space<hbm>> -> memref<10240xf32, #tpu.memory_space<hbm>>
      %dma_start3A_17 = tpu.memref_slice %arg3[%mul3A_16] : memref<327680xf32, #tpu.memory_space<hbm>> -> memref<10240xf32, #tpu.memory_space<hbm>>
      tpu.enqueue_dma source(%arg5 : memref<10240xf32, #tpu.memory_space<vmem>>) target(%dma_start3A_17 : memref<10240xf32, #tpu.memory_space<hbm>>) target_semaphore(%run_scoped3A : memref<!tpu.dma_semaphore, #tpu.memory_space<semaphore_mem>>)
      %dma_wait3A = tpu.memref_slice %arg3[%mul3A_16] : memref<327680xf32, #tpu.memory_space<hbm>> -> memref<10240xf32, #tpu.memory_space<hbm>>
      %dma_wait3A_18 = tpu.memref_slice %arg3[%mul3A_16] : memref<327680xf32, #tpu.memory_space<hbm>> -> memref<10240xf32, #tpu.memory_space<hbm>>
      tpu.wait_dma2 semaphore(%run_scoped3A : memref<!tpu.dma_semaphore, #tpu.memory_space<semaphore_mem>>) src(%arg5 : memref<10240xf32, #tpu.memory_space<vmem>>) dst(%dma_wait3A_18 : memref<10240xf32, #tpu.memory_space<hbm>>)
      tpu.yield
    }) : () -> ()
    return
  }
}

#map = affine_map<(d0, d1) -> (0)>
module attributes {stable_mosaic.version = 14 : i64} {
  func.func @prop(%arg0: i32, %arg1: i32, %arg2: memref<1310720xf32, #tpu.memory_space<hbm>>, %arg3: memref<327680xi32, #tpu.memory_space<hbm>>, %arg4: memref<327680xi32, #tpu.memory_space<hbm>>, %arg5: memref<1310720xf32, #tpu.memory_space<hbm>>, %arg6: memref<40960xf32, #tpu.memory_space<vmem>>, %arg7: memref<40960xf32, #tpu.memory_space<vmem>>, %arg8: memref<8192xi32, #tpu.memory_space<vmem>>, %arg9: memref<8192xi32, #tpu.memory_space<vmem>>, %arg10: memref<8192xi32, #tpu.memory_space<vmem>>, %arg11: memref<8192xi32, #tpu.memory_space<vmem>>, %arg12: memref<!tpu.dma_semaphore, #tpu.memory_space<semaphore_mem>>, %arg13: memref<!tpu.dma_semaphore, #tpu.memory_space<semaphore_mem>>) attributes {dimension_semantics = [#tpu.dimension_semantics<core_parallel>, #tpu.dimension_semantics<subcore_parallel>], iteration_bounds = array<i64: 2, 16>, scalar_prefetch = 0 : i64, scratch_operands = 8 : i64, tpu.core_type = #tpu.core_type<sc_vector_subcore>, window_params = [{transform_indices = #map}, {transform_indices = #map}, {transform_indices = #map}, {transform_indices = #map}]} {
    %mul3A = arith.constant 16 : i32
    %mul3A_0 = arith.muli %arg0, %mul3A : i32
    %add3A = arith.addi %mul3A_0, %arg1 : i32
    %mul3A_1 = arith.constant 40960 : i32
    %mul3A_2 = arith.muli %add3A, %mul3A_1 : i32
    "tpu.region"() ({
      %run_scoped3A = tpu.sem_alloc : memref<!tpu.dma_semaphore, #tpu.memory_space<semaphore_mem>>
      %dma_start3A_67 = tpu.memref_slice %arg2[%mul3A_2] : memref<1310720xf32, #tpu.memory_space<hbm>> -> memref<40960xf32, #tpu.memory_space<hbm>>
      %dma_start3A_68 = tpu.memref_slice %arg2[%mul3A_2] : memref<1310720xf32, #tpu.memory_space<hbm>> -> memref<40960xf32, #tpu.memory_space<hbm>>
      tpu.enqueue_dma source(%dma_start3A_68 : memref<40960xf32, #tpu.memory_space<hbm>>) target(%arg6 : memref<40960xf32, #tpu.memory_space<vmem>>) target_semaphore(%run_scoped3A : memref<!tpu.dma_semaphore, #tpu.memory_space<semaphore_mem>>)
      %dma_wait3A = tpu.memref_slice %arg2[%mul3A_2] : memref<1310720xf32, #tpu.memory_space<hbm>> -> memref<40960xf32, #tpu.memory_space<hbm>>
      %dma_wait3A_69 = tpu.memref_slice %arg2[%mul3A_2] : memref<1310720xf32, #tpu.memory_space<hbm>> -> memref<40960xf32, #tpu.memory_space<hbm>>
      tpu.wait_dma2 semaphore(%run_scoped3A : memref<!tpu.dma_semaphore, #tpu.memory_space<semaphore_mem>>) src(%dma_wait3A_69 : memref<40960xf32, #tpu.memory_space<hbm>>) dst(%arg6 : memref<40960xf32, #tpu.memory_space<vmem>>)
      tpu.yield
    }) : () -> ()
    %iota3A = tpu.iota {dimensions = array<i32: 0>} : vector<16xi32>
    %and3A = arith.constant 3 : i32
    %and3A_3 = vector.broadcast %and3A : i32 to vector<16xi32>
    %and3A_4 = arith.andi %iota3A, %and3A_3 : vector<16xi32>
    %mul3A_5 = arith.constant 10240 : i32
    %mul3A_6 = vector.broadcast %mul3A_5 : i32 to vector<16xi32>
    %mul3A_7 = arith.muli %and3A_4, %mul3A_6 : vector<16xi32>
    %shift_right_logical3A = arith.constant 2 : i32
    %shift_right_logical3A_8 = vector.broadcast %shift_right_logical3A : i32 to vector<16xi32>
    %shift_right_logical3A_9 = arith.shrui %iota3A, %shift_right_logical3A_8 : vector<16xi32>
    %add3A_10 = arith.constant 0 : i32
    %add3A_11 = vector.broadcast %add3A_10 : i32 to vector<16xi32>
    %add3A_12 = arith.addi %shift_right_logical3A_9, %add3A_11 : vector<16xi32>
    %add3A_13 = arith.constant 4 : i32
    %add3A_14 = vector.broadcast %add3A_13 : i32 to vector<16xi32>
    %add3A_15 = arith.addi %shift_right_logical3A_9, %add3A_14 : vector<16xi32>
    %add3A_16 = arith.constant 8 : i32
    %add3A_17 = vector.broadcast %add3A_16 : i32 to vector<16xi32>
    %add3A_18 = arith.addi %shift_right_logical3A_9, %add3A_17 : vector<16xi32>
    %add3A_19 = arith.constant 12 : i32
    %add3A_20 = vector.broadcast %add3A_19 : i32 to vector<16xi32>
    %add3A_21 = arith.addi %shift_right_logical3A_9, %add3A_20 : vector<16xi32>
    %add3A_22 = arith.addi %mul3A_7, %shift_right_logical3A_9 : vector<16xi32>
    %scan3A = arith.constant 0 : i32
    %scan3A_23 = arith.constant 2560 : i32
    %scan3A_24 = arith.addi %scan3A, %scan3A_23 : i32
    %scan3A_25 = arith.constant 1 : i32
    scf.for %scan3A_67 = %scan3A to %scan3A_24 step %scan3A_25  : i32 {
      %mul3A_68 = arith.constant 1 : i32
      %mul3A_69 = arith.muli %scan3A_67, %mul3A_68 : i32
      %add3A_70 = arith.constant 0 : i32
      %add3A_71 = arith.addi %add3A_70, %mul3A_69 : i32
      %mul3A_72 = arith.constant 4 : i32
      %mul3A_73 = arith.muli %mul3A_72, %add3A_71 : i32
      %add3A_74 = vector.broadcast %mul3A_73 : i32 to vector<16xi32>
      %add3A_75 = arith.addi %add3A_22, %add3A_74 : vector<16xi32>
      %gather3A = tpu.vector_load_idx %arg6[%add3A_75] : memref<40960xf32, #tpu.memory_space<vmem>>[vector<16xi32>], vector<16xf32>,
      %mul3A_76 = arith.constant 16 : i32
      %mul3A_77 = arith.muli %add3A_71, %mul3A_76 : i32
      %swap3A = arith.index_cast %mul3A_77 : i32 to index
      %swap3A_78 = tpu.vector_load %arg7[%swap3A] {strides = array<i32>} : memref<40960xf32, #tpu.memory_space<vmem>>, vector<16xf32>,
      tpu.vector_store %arg7[%swap3A], %gather3A {strides = array<i32>} : memref<40960xf32, #tpu.memory_space<vmem>>, vector<16xf32>,
    }
    %scan3A_26 = arith.constant 2560 : i32
    %scan3A_27 = arith.constant 0 : i32
    %scan3A_28 = arith.constant 2560 : i32
    %scan3A_29 = arith.addi %scan3A_27, %scan3A_28 : i32
    %scan3A_30 = arith.constant 1 : i32
    scf.for %scan3A_67 = %scan3A_27 to %scan3A_29 step %scan3A_30  : i32 {
      %mul3A_68 = arith.constant 1 : i32
      %mul3A_69 = arith.muli %scan3A_67, %mul3A_68 : i32
      %add3A_70 = arith.constant 0 : i32
      %add3A_71 = arith.addi %add3A_70, %mul3A_69 : i32
      %mul3A_72 = arith.constant 16 : i32
      %mul3A_73 = arith.muli %add3A_71, %mul3A_72 : i32
      %get3A = arith.index_cast %mul3A_73 : i32 to index
      %get3A_74 = tpu.vector_load %arg7[%get3A] {strides = array<i32>} : memref<40960xf32, #tpu.memory_space<vmem>>, vector<16xf32>,
      %mul3A_75 = arith.constant 16 : i32
      %mul3A_76 = arith.muli %add3A_71, %mul3A_75 : i32
      %swap3A = arith.index_cast %mul3A_76 : i32 to index
      %swap3A_77 = tpu.vector_load %arg6[%swap3A] {strides = array<i32>} : memref<40960xf32, #tpu.memory_space<vmem>>, vector<16xf32>,
      tpu.vector_store %arg6[%swap3A], %get3A_74 {strides = array<i32>} : memref<40960xf32, #tpu.memory_space<vmem>>, vector<16xf32>,
    }
    %scan3A_31 = arith.constant 2560 : i32
    %dma_start3A = arith.constant 0 : i32
    %dma_start3A_32 = tpu.memref_slice %arg3[%dma_start3A] : memref<327680xi32, #tpu.memory_space<hbm>> -> memref<8192xi32, #tpu.memory_space<hbm>>
    %dma_start3A_33 = arith.constant 0 : i32
    %dma_start3A_34 = tpu.memref_slice %arg3[%dma_start3A_33] : memref<327680xi32, #tpu.memory_space<hbm>> -> memref<8192xi32, #tpu.memory_space<hbm>>
    tpu.enqueue_dma source(%dma_start3A_34 : memref<8192xi32, #tpu.memory_space<hbm>>) target(%arg8 : memref<8192xi32, #tpu.memory_space<vmem>>) target_semaphore(%arg12 : memref<!tpu.dma_semaphore, #tpu.memory_space<semaphore_mem>>)
    %dma_start3A_35 = arith.constant 0 : i32
    %dma_start3A_36 = tpu.memref_slice %arg4[%dma_start3A_35] : memref<327680xi32, #tpu.memory_space<hbm>> -> memref<8192xi32, #tpu.memory_space<hbm>>
    %dma_start3A_37 = arith.constant 0 : i32
    %dma_start3A_38 = tpu.memref_slice %arg4[%dma_start3A_37] : memref<327680xi32, #tpu.memory_space<hbm>> -> memref<8192xi32, #tpu.memory_space<hbm>>
    tpu.enqueue_dma source(%dma_start3A_38 : memref<8192xi32, #tpu.memory_space<hbm>>) target(%arg9 : memref<8192xi32, #tpu.memory_space<vmem>>) target_semaphore(%arg12 : memref<!tpu.dma_semaphore, #tpu.memory_space<semaphore_mem>>)
    %scan3A_39 = arith.constant 0 : i32
    %scan3A_40 = arith.constant 20 : i32
    %scan3A_41 = arith.addi %scan3A_39, %scan3A_40 : i32
    %scan3A_42 = arith.constant 1 : i32
    scf.for %scan3A_67 = %scan3A_39 to %scan3A_41 step %scan3A_42  : i32 {
      %mul3A_68 = arith.constant 2 : i32
      %mul3A_69 = arith.muli %scan3A_67, %mul3A_68 : i32
      %add3A_70 = arith.constant 0 : i32
      %add3A_71 = arith.addi %add3A_70, %mul3A_69 : i32
      %dma_wait3A = arith.constant 0 : i32
      %dma_wait3A_72 = tpu.memref_slice %arg3[%dma_wait3A] : memref<327680xi32, #tpu.memory_space<hbm>> -> memref<8192xi32, #tpu.memory_space<hbm>>
      %dma_wait3A_73 = arith.constant 0 : i32
      %dma_wait3A_74 = tpu.memref_slice %arg3[%dma_wait3A_73] : memref<327680xi32, #tpu.memory_space<hbm>> -> memref<8192xi32, #tpu.memory_space<hbm>>
      tpu.wait_dma2 semaphore(%arg12 : memref<!tpu.dma_semaphore, #tpu.memory_space<semaphore_mem>>) src(%dma_wait3A_74 : memref<8192xi32, #tpu.memory_space<hbm>>) dst(%arg8 : memref<8192xi32, #tpu.memory_space<vmem>>)
      %dma_wait3A_75 = arith.constant 0 : i32
      %dma_wait3A_76 = tpu.memref_slice %arg4[%dma_wait3A_75] : memref<327680xi32, #tpu.memory_space<hbm>> -> memref<8192xi32, #tpu.memory_space<hbm>>
      %dma_wait3A_77 = arith.constant 0 : i32
      %dma_wait3A_78 = tpu.memref_slice %arg4[%dma_wait3A_77] : memref<327680xi32, #tpu.memory_space<hbm>> -> memref<8192xi32, #tpu.memory_space<hbm>>
      tpu.wait_dma2 semaphore(%arg12 : memref<!tpu.dma_semaphore, #tpu.memory_space<semaphore_mem>>) src(%dma_wait3A_78 : memref<8192xi32, #tpu.memory_space<hbm>>) dst(%arg9 : memref<8192xi32, #tpu.memory_space<vmem>>)
      %add3A_79 = arith.constant 1 : i32
      %add3A_80 = arith.addi %add3A_71, %add3A_79 : i32
      %lt3A = arith.constant 40 : i32
      %lt3A_81 = arith.cmpi slt, %add3A_80, %lt3A : i32
      %convert_element_type3A = arith.extui %lt3A_81 : i1 to i32
      %cond3A = arith.constant 0 : i32
      %cond3A_82 = arith.cmpi ne, %convert_element_type3A, %cond3A : i32
      scf.if %cond3A_82 {
        %add3A_95 = arith.constant 1 : i32
        %add3A_96 = arith.addi %add3A_71, %add3A_95 : i32
        %mul3A_97 = arith.constant 8192 : i32
        %mul3A_98 = arith.muli %add3A_96, %mul3A_97 : i32
        %dma_start3A_99 = tpu.memref_slice %arg3[%mul3A_98] : memref<327680xi32, #tpu.memory_space<hbm>> -> memref<8192xi32, #tpu.memory_space<hbm>>
        %dma_start3A_100 = tpu.memref_slice %arg3[%mul3A_98] : memref<327680xi32, #tpu.memory_space<hbm>> -> memref<8192xi32, #tpu.memory_space<hbm>>
        tpu.enqueue_dma source(%dma_start3A_100 : memref<8192xi32, #tpu.memory_space<hbm>>) target(%arg10 : memref<8192xi32, #tpu.memory_space<vmem>>) target_semaphore(%arg13 : memref<!tpu.dma_semaphore, #tpu.memory_space<semaphore_mem>>)
        %mul3A_101 = arith.constant 8192 : i32
        %mul3A_102 = arith.muli %add3A_96, %mul3A_101 : i32
        %dma_start3A_103 = tpu.memref_slice %arg4[%mul3A_102] : memref<327680xi32, #tpu.memory_space<hbm>> -> memref<8192xi32, #tpu.memory_space<hbm>>
        %dma_start3A_104 = tpu.memref_slice %arg4[%mul3A_102] : memref<327680xi32, #tpu.memory_space<hbm>> -> memref<8192xi32, #tpu.memory_space<hbm>>
        tpu.enqueue_dma source(%dma_start3A_104 : memref<8192xi32, #tpu.memory_space<hbm>>) target(%arg11 : memref<8192xi32, #tpu.memory_space<vmem>>) target_semaphore(%arg13 : memref<!tpu.dma_semaphore, #tpu.memory_space<semaphore_mem>>)
      } else {
      }
      %scan3A_83 = arith.constant 0 : i32
      %scan3A_84 = arith.constant 512 : i32
      %scan3A_85 = arith.addi %scan3A_83, %scan3A_84 : i32
      %scan3A_86 = arith.constant 1 : i32
      scf.for %scan3A_95 = %scan3A_83 to %scan3A_85 step %scan3A_86  : i32 {
        %mul3A_96 = arith.constant 1 : i32
        %mul3A_97 = arith.muli %scan3A_95, %mul3A_96 : i32
        %add3A_98 = arith.constant 0 : i32
        %add3A_99 = arith.addi %add3A_98, %mul3A_97 : i32
        %mul3A_100 = arith.constant 16 : i32
        %mul3A_101 = arith.muli %add3A_99, %mul3A_100 : i32
        %get3A = arith.index_cast %mul3A_101 : i32 to index
        %get3A_102 = tpu.vector_load %arg8[%get3A] {strides = array<i32>} : memref<8192xi32, #tpu.memory_space<vmem>>, vector<16xi32>,
        %mul3A_103 = arith.constant 16 : i32
        %mul3A_104 = arith.muli %add3A_99, %mul3A_103 : i32
        %get3A_105 = arith.index_cast %mul3A_104 : i32 to index
        %get3A_106 = tpu.vector_load %arg9[%get3A_105] {strides = array<i32>} : memref<8192xi32, #tpu.memory_space<vmem>>, vector<16xi32>,
        %and3A_107 = arith.constant 3 : i32
        %and3A_108 = vector.broadcast %and3A_107 : i32 to vector<16xi32>
        %and3A_109 = arith.andi %iota3A, %and3A_108 : vector<16xi32>
        %lt3A_110 = arith.constant 0 : i32
        %lt3A_111 = vector.broadcast %lt3A_110 : i32 to vector<16xi32>
        %lt3A_112 = arith.cmpi slt, %add3A_12, %lt3A_111 : vector<16xi32>
        %add3A_113 = arith.constant 16 : i32
        %add3A_114 = vector.broadcast %add3A_113 : i32 to vector<16xi32>
        %add3A_115 = arith.addi %add3A_12, %add3A_114 : vector<16xi32>
        %select_n3A = arith.select %lt3A_112, %add3A_115, %add3A_12 : vector<16xi1>, vector<16xi32>
        %reshape3A = vector.shape_cast %select_n3A : vector<16xi32> to vector<16x1xi32>
        %gather3A = vector.shape_cast %reshape3A : vector<16x1xi32> to vector<16xi32>
        %gather3A_116 = tpu.dynamic_gather %get3A_102[%gather3A] in [0] : vector<16xi32>, vector<16xi32> -> vector<16xi32>
        %lt3A_117 = arith.constant 0 : i32
        %lt3A_118 = vector.broadcast %lt3A_117 : i32 to vector<16xi32>
        %lt3A_119 = arith.cmpi slt, %add3A_12, %lt3A_118 : vector<16xi32>
        %add3A_120 = arith.constant 16 : i32
        %add3A_121 = vector.broadcast %add3A_120 : i32 to vector<16xi32>
        %add3A_122 = arith.addi %add3A_12, %add3A_121 : vector<16xi32>
        %select_n3A_123 = arith.select %lt3A_119, %add3A_122, %add3A_12 : vector<16xi1>, vector<16xi32>
        %reshape3A_124 = vector.shape_cast %select_n3A_123 : vector<16xi32> to vector<16x1xi32>
        %gather3A_125 = vector.shape_cast %reshape3A_124 : vector<16x1xi32> to vector<16xi32>
        %gather3A_126 = tpu.dynamic_gather %get3A_106[%gather3A_125] in [0] : vector<16xi32>, vector<16xi32> -> vector<16xi32>
        %or3A = arith.ori %gather3A_116, %and3A_109 : vector<16xi32>
        %or3A_127 = arith.ori %gather3A_126, %and3A_109 : vector<16xi32>
        %gather3A_128 = tpu.vector_load_idx %arg7[%or3A] : memref<40960xf32, #tpu.memory_space<vmem>>[vector<16xi32>], vector<16xf32>,
        tpu.vector_store_idx %arg6[%or3A_127], %gather3A_128 {add = true} : memref<40960xf32, #tpu.memory_space<vmem>>[vector<16xi32>], vector<16xf32>,
        %lt3A_129 = arith.constant 0 : i32
        %lt3A_130 = vector.broadcast %lt3A_129 : i32 to vector<16xi32>
        %lt3A_131 = arith.cmpi slt, %add3A_15, %lt3A_130 : vector<16xi32>
        %add3A_132 = arith.constant 16 : i32
        %add3A_133 = vector.broadcast %add3A_132 : i32 to vector<16xi32>
        %add3A_134 = arith.addi %add3A_15, %add3A_133 : vector<16xi32>
        %select_n3A_135 = arith.select %lt3A_131, %add3A_134, %add3A_15 : vector<16xi1>, vector<16xi32>
        %reshape3A_136 = vector.shape_cast %select_n3A_135 : vector<16xi32> to vector<16x1xi32>
        %gather3A_137 = vector.shape_cast %reshape3A_136 : vector<16x1xi32> to vector<16xi32>
        %gather3A_138 = tpu.dynamic_gather %get3A_102[%gather3A_137] in [0] : vector<16xi32>, vector<16xi32> -> vector<16xi32>
        %lt3A_139 = arith.constant 0 : i32
        %lt3A_140 = vector.broadcast %lt3A_139 : i32 to vector<16xi32>
        %lt3A_141 = arith.cmpi slt, %add3A_15, %lt3A_140 : vector<16xi32>
        %add3A_142 = arith.constant 16 : i32
        %add3A_143 = vector.broadcast %add3A_142 : i32 to vector<16xi32>
        %add3A_144 = arith.addi %add3A_15, %add3A_143 : vector<16xi32>
        %select_n3A_145 = arith.select %lt3A_141, %add3A_144, %add3A_15 : vector<16xi1>, vector<16xi32>
        %reshape3A_146 = vector.shape_cast %select_n3A_145 : vector<16xi32> to vector<16x1xi32>
        %gather3A_147 = vector.shape_cast %reshape3A_146 : vector<16x1xi32> to vector<16xi32>
        %gather3A_148 = tpu.dynamic_gather %get3A_106[%gather3A_147] in [0] : vector<16xi32>, vector<16xi32> -> vector<16xi32>
        %or3A_149 = arith.ori %gather3A_138, %and3A_109 : vector<16xi32>
        %or3A_150 = arith.ori %gather3A_148, %and3A_109 : vector<16xi32>
        %gather3A_151 = tpu.vector_load_idx %arg7[%or3A_149] : memref<40960xf32, #tpu.memory_space<vmem>>[vector<16xi32>], vector<16xf32>,
        tpu.vector_store_idx %arg6[%or3A_150], %gather3A_151 {add = true} : memref<40960xf32, #tpu.memory_space<vmem>>[vector<16xi32>], vector<16xf32>,
        %lt3A_152 = arith.constant 0 : i32
        %lt3A_153 = vector.broadcast %lt3A_152 : i32 to vector<16xi32>
        %lt3A_154 = arith.cmpi slt, %add3A_18, %lt3A_153 : vector<16xi32>
        %add3A_155 = arith.constant 16 : i32
        %add3A_156 = vector.broadcast %add3A_155 : i32 to vector<16xi32>
        %add3A_157 = arith.addi %add3A_18, %add3A_156 : vector<16xi32>
        %select_n3A_158 = arith.select %lt3A_154, %add3A_157, %add3A_18 : vector<16xi1>, vector<16xi32>
        %reshape3A_159 = vector.shape_cast %select_n3A_158 : vector<16xi32> to vector<16x1xi32>
        %gather3A_160 = vector.shape_cast %reshape3A_159 : vector<16x1xi32> to vector<16xi32>
        %gather3A_161 = tpu.dynamic_gather %get3A_102[%gather3A_160] in [0] : vector<16xi32>, vector<16xi32> -> vector<16xi32>
        %lt3A_162 = arith.constant 0 : i32
        %lt3A_163 = vector.broadcast %lt3A_162 : i32 to vector<16xi32>
        %lt3A_164 = arith.cmpi slt, %add3A_18, %lt3A_163 : vector<16xi32>
        %add3A_165 = arith.constant 16 : i32
        %add3A_166 = vector.broadcast %add3A_165 : i32 to vector<16xi32>
        %add3A_167 = arith.addi %add3A_18, %add3A_166 : vector<16xi32>
        %select_n3A_168 = arith.select %lt3A_164, %add3A_167, %add3A_18 : vector<16xi1>, vector<16xi32>
        %reshape3A_169 = vector.shape_cast %select_n3A_168 : vector<16xi32> to vector<16x1xi32>
        %gather3A_170 = vector.shape_cast %reshape3A_169 : vector<16x1xi32> to vector<16xi32>
        %gather3A_171 = tpu.dynamic_gather %get3A_106[%gather3A_170] in [0] : vector<16xi32>, vector<16xi32> -> vector<16xi32>
        %or3A_172 = arith.ori %gather3A_161, %and3A_109 : vector<16xi32>
        %or3A_173 = arith.ori %gather3A_171, %and3A_109 : vector<16xi32>
        %gather3A_174 = tpu.vector_load_idx %arg7[%or3A_172] : memref<40960xf32, #tpu.memory_space<vmem>>[vector<16xi32>], vector<16xf32>,
        tpu.vector_store_idx %arg6[%or3A_173], %gather3A_174 {add = true} : memref<40960xf32, #tpu.memory_space<vmem>>[vector<16xi32>], vector<16xf32>,
        %lt3A_175 = arith.constant 0 : i32
        %lt3A_176 = vector.broadcast %lt3A_175 : i32 to vector<16xi32>
        %lt3A_177 = arith.cmpi slt, %add3A_21, %lt3A_176 : vector<16xi32>
        %add3A_178 = arith.constant 16 : i32
        %add3A_179 = vector.broadcast %add3A_178 : i32 to vector<16xi32>
        %add3A_180 = arith.addi %add3A_21, %add3A_179 : vector<16xi32>
        %select_n3A_181 = arith.select %lt3A_177, %add3A_180, %add3A_21 : vector<16xi1>, vector<16xi32>
        %reshape3A_182 = vector.shape_cast %select_n3A_181 : vector<16xi32> to vector<16x1xi32>
        %gather3A_183 = vector.shape_cast %reshape3A_182 : vector<16x1xi32> to vector<16xi32>
        %gather3A_184 = tpu.dynamic_gather %get3A_102[%gather3A_183] in [0] : vector<16xi32>, vector<16xi32> -> vector<16xi32>
        %lt3A_185 = arith.constant 0 : i32
        %lt3A_186 = vector.broadcast %lt3A_185 : i32 to vector<16xi32>
        %lt3A_187 = arith.cmpi slt, %add3A_21, %lt3A_186 : vector<16xi32>
        %add3A_188 = arith.constant 16 : i32
        %add3A_189 = vector.broadcast %add3A_188 : i32 to vector<16xi32>
        %add3A_190 = arith.addi %add3A_21, %add3A_189 : vector<16xi32>
        %select_n3A_191 = arith.select %lt3A_187, %add3A_190, %add3A_21 : vector<16xi1>, vector<16xi32>
        %reshape3A_192 = vector.shape_cast %select_n3A_191 : vector<16xi32> to vector<16x1xi32>
        %gather3A_193 = vector.shape_cast %reshape3A_192 : vector<16x1xi32> to vector<16xi32>
        %gather3A_194 = tpu.dynamic_gather %get3A_106[%gather3A_193] in [0] : vector<16xi32>, vector<16xi32> -> vector<16xi32>
        %or3A_195 = arith.ori %gather3A_184, %and3A_109 : vector<16xi32>
        %or3A_196 = arith.ori %gather3A_194, %and3A_109 : vector<16xi32>
        %gather3A_197 = tpu.vector_load_idx %arg7[%or3A_195] : memref<40960xf32, #tpu.memory_space<vmem>>[vector<16xi32>], vector<16xf32>,
        tpu.vector_store_idx %arg6[%or3A_196], %gather3A_197 {add = true} : memref<40960xf32, #tpu.memory_space<vmem>>[vector<16xi32>], vector<16xf32>,
      }
      %scan3A_87 = arith.constant 512 : i32
      %add3A_88 = arith.constant 1 : i32
      %add3A_89 = arith.addi %add3A_71, %add3A_88 : i32
      %lt3A_90 = arith.constant 40 : i32
      %lt3A_91 = arith.cmpi slt, %add3A_89, %lt3A_90 : i32
      %convert_element_type3A_92 = arith.extui %lt3A_91 : i1 to i32
      %cond3A_93 = arith.constant 0 : i32
      %cond3A_94 = arith.cmpi ne, %convert_element_type3A_92, %cond3A_93 : i32
      scf.if %cond3A_94 {
        %dma_wait3A_95 = arith.constant 0 : i32
        %dma_wait3A_96 = tpu.memref_slice %arg3[%dma_wait3A_95] : memref<327680xi32, #tpu.memory_space<hbm>> -> memref<8192xi32, #tpu.memory_space<hbm>>
        %dma_wait3A_97 = arith.constant 0 : i32
        %dma_wait3A_98 = tpu.memref_slice %arg3[%dma_wait3A_97] : memref<327680xi32, #tpu.memory_space<hbm>> -> memref<8192xi32, #tpu.memory_space<hbm>>
        tpu.wait_dma2 semaphore(%arg13 : memref<!tpu.dma_semaphore, #tpu.memory_space<semaphore_mem>>) src(%dma_wait3A_98 : memref<8192xi32, #tpu.memory_space<hbm>>) dst(%arg10 : memref<8192xi32, #tpu.memory_space<vmem>>)
        %dma_wait3A_99 = arith.constant 0 : i32
        %dma_wait3A_100 = tpu.memref_slice %arg4[%dma_wait3A_99] : memref<327680xi32, #tpu.memory_space<hbm>> -> memref<8192xi32, #tpu.memory_space<hbm>>
        %dma_wait3A_101 = arith.constant 0 : i32
        %dma_wait3A_102 = tpu.memref_slice %arg4[%dma_wait3A_101] : memref<327680xi32, #tpu.memory_space<hbm>> -> memref<8192xi32, #tpu.memory_space<hbm>>
        tpu.wait_dma2 semaphore(%arg13 : memref<!tpu.dma_semaphore, #tpu.memory_space<semaphore_mem>>) src(%dma_wait3A_102 : memref<8192xi32, #tpu.memory_space<hbm>>) dst(%arg11 : memref<8192xi32, #tpu.memory_space<vmem>>)
        %add3A_103 = arith.constant 2 : i32
        %add3A_104 = arith.addi %add3A_71, %add3A_103 : i32
        %lt3A_105 = arith.constant 40 : i32
        %lt3A_106 = arith.cmpi slt, %add3A_104, %lt3A_105 : i32
        %convert_element_type3A_107 = arith.extui %lt3A_106 : i1 to i32
        %cond3A_108 = arith.constant 0 : i32
        %cond3A_109 = arith.cmpi ne, %convert_element_type3A_107, %cond3A_108 : i32
        scf.if %cond3A_109 {
          %add3A_115 = arith.constant 2 : i32
          %add3A_116 = arith.addi %add3A_71, %add3A_115 : i32
          %mul3A_117 = arith.constant 8192 : i32
          %mul3A_118 = arith.muli %add3A_116, %mul3A_117 : i32
          %dma_start3A_119 = tpu.memref_slice %arg3[%mul3A_118] : memref<327680xi32, #tpu.memory_space<hbm>> -> memref<8192xi32, #tpu.memory_space<hbm>>
          %dma_start3A_120 = tpu.memref_slice %arg3[%mul3A_118] : memref<327680xi32, #tpu.memory_space<hbm>> -> memref<8192xi32, #tpu.memory_space<hbm>>
          tpu.enqueue_dma source(%dma_start3A_120 : memref<8192xi32, #tpu.memory_space<hbm>>) target(%arg8 : memref<8192xi32, #tpu.memory_space<vmem>>) target_semaphore(%arg12 : memref<!tpu.dma_semaphore, #tpu.memory_space<semaphore_mem>>)
          %mul3A_121 = arith.constant 8192 : i32
          %mul3A_122 = arith.muli %add3A_116, %mul3A_121 : i32
          %dma_start3A_123 = tpu.memref_slice %arg4[%mul3A_122] : memref<327680xi32, #tpu.memory_space<hbm>> -> memref<8192xi32, #tpu.memory_space<hbm>>
          %dma_start3A_124 = tpu.memref_slice %arg4[%mul3A_122] : memref<327680xi32, #tpu.memory_space<hbm>> -> memref<8192xi32, #tpu.memory_space<hbm>>
          tpu.enqueue_dma source(%dma_start3A_124 : memref<8192xi32, #tpu.memory_space<hbm>>) target(%arg9 : memref<8192xi32, #tpu.memory_space<vmem>>) target_semaphore(%arg12 : memref<!tpu.dma_semaphore, #tpu.memory_space<semaphore_mem>>)
        } else {
        }
        %scan3A_110 = arith.constant 0 : i32
        %scan3A_111 = arith.constant 512 : i32
        %scan3A_112 = arith.addi %scan3A_110, %scan3A_111 : i32
        %scan3A_113 = arith.constant 1 : i32
        scf.for %scan3A_115 = %scan3A_110 to %scan3A_112 step %scan3A_113  : i32 {
          %mul3A_116 = arith.constant 1 : i32
          %mul3A_117 = arith.muli %scan3A_115, %mul3A_116 : i32
          %add3A_118 = arith.constant 0 : i32
          %add3A_119 = arith.addi %add3A_118, %mul3A_117 : i32
          %mul3A_120 = arith.constant 16 : i32
          %mul3A_121 = arith.muli %add3A_119, %mul3A_120 : i32
          %get3A = arith.index_cast %mul3A_121 : i32 to index
          %get3A_122 = tpu.vector_load %arg10[%get3A] {strides = array<i32>} : memref<8192xi32, #tpu.memory_space<vmem>>, vector<16xi32>,
          %mul3A_123 = arith.constant 16 : i32
          %mul3A_124 = arith.muli %add3A_119, %mul3A_123 : i32
          %get3A_125 = arith.index_cast %mul3A_124 : i32 to index
          %get3A_126 = tpu.vector_load %arg11[%get3A_125] {strides = array<i32>} : memref<8192xi32, #tpu.memory_space<vmem>>, vector<16xi32>,
          %and3A_127 = arith.constant 3 : i32
          %and3A_128 = vector.broadcast %and3A_127 : i32 to vector<16xi32>
          %and3A_129 = arith.andi %iota3A, %and3A_128 : vector<16xi32>
          %lt3A_130 = arith.constant 0 : i32
          %lt3A_131 = vector.broadcast %lt3A_130 : i32 to vector<16xi32>
          %lt3A_132 = arith.cmpi slt, %add3A_12, %lt3A_131 : vector<16xi32>
          %add3A_133 = arith.constant 16 : i32
          %add3A_134 = vector.broadcast %add3A_133 : i32 to vector<16xi32>
          %add3A_135 = arith.addi %add3A_12, %add3A_134 : vector<16xi32>
          %select_n3A = arith.select %lt3A_132, %add3A_135, %add3A_12 : vector<16xi1>, vector<16xi32>
          %reshape3A = vector.shape_cast %select_n3A : vector<16xi32> to vector<16x1xi32>
          %gather3A = vector.shape_cast %reshape3A : vector<16x1xi32> to vector<16xi32>
          %gather3A_136 = tpu.dynamic_gather %get3A_122[%gather3A] in [0] : vector<16xi32>, vector<16xi32> -> vector<16xi32>
          %lt3A_137 = arith.constant 0 : i32
          %lt3A_138 = vector.broadcast %lt3A_137 : i32 to vector<16xi32>
          %lt3A_139 = arith.cmpi slt, %add3A_12, %lt3A_138 : vector<16xi32>
          %add3A_140 = arith.constant 16 : i32
          %add3A_141 = vector.broadcast %add3A_140 : i32 to vector<16xi32>
          %add3A_142 = arith.addi %add3A_12, %add3A_141 : vector<16xi32>
          %select_n3A_143 = arith.select %lt3A_139, %add3A_142, %add3A_12 : vector<16xi1>, vector<16xi32>
          %reshape3A_144 = vector.shape_cast %select_n3A_143 : vector<16xi32> to vector<16x1xi32>
          %gather3A_145 = vector.shape_cast %reshape3A_144 : vector<16x1xi32> to vector<16xi32>
          %gather3A_146 = tpu.dynamic_gather %get3A_126[%gather3A_145] in [0] : vector<16xi32>, vector<16xi32> -> vector<16xi32>
          %or3A = arith.ori %gather3A_136, %and3A_129 : vector<16xi32>
          %or3A_147 = arith.ori %gather3A_146, %and3A_129 : vector<16xi32>
          %gather3A_148 = tpu.vector_load_idx %arg7[%or3A] : memref<40960xf32, #tpu.memory_space<vmem>>[vector<16xi32>], vector<16xf32>,
          tpu.vector_store_idx %arg6[%or3A_147], %gather3A_148 {add = true} : memref<40960xf32, #tpu.memory_space<vmem>>[vector<16xi32>], vector<16xf32>,
          %lt3A_149 = arith.constant 0 : i32
          %lt3A_150 = vector.broadcast %lt3A_149 : i32 to vector<16xi32>
          %lt3A_151 = arith.cmpi slt, %add3A_15, %lt3A_150 : vector<16xi32>
          %add3A_152 = arith.constant 16 : i32
          %add3A_153 = vector.broadcast %add3A_152 : i32 to vector<16xi32>
          %add3A_154 = arith.addi %add3A_15, %add3A_153 : vector<16xi32>
          %select_n3A_155 = arith.select %lt3A_151, %add3A_154, %add3A_15 : vector<16xi1>, vector<16xi32>
          %reshape3A_156 = vector.shape_cast %select_n3A_155 : vector<16xi32> to vector<16x1xi32>
          %gather3A_157 = vector.shape_cast %reshape3A_156 : vector<16x1xi32> to vector<16xi32>
          %gather3A_158 = tpu.dynamic_gather %get3A_122[%gather3A_157] in [0] : vector<16xi32>, vector<16xi32> -> vector<16xi32>
          %lt3A_159 = arith.constant 0 : i32
          %lt3A_160 = vector.broadcast %lt3A_159 : i32 to vector<16xi32>
          %lt3A_161 = arith.cmpi slt, %add3A_15, %lt3A_160 : vector<16xi32>
          %add3A_162 = arith.constant 16 : i32
          %add3A_163 = vector.broadcast %add3A_162 : i32 to vector<16xi32>
          %add3A_164 = arith.addi %add3A_15, %add3A_163 : vector<16xi32>
          %select_n3A_165 = arith.select %lt3A_161, %add3A_164, %add3A_15 : vector<16xi1>, vector<16xi32>
          %reshape3A_166 = vector.shape_cast %select_n3A_165 : vector<16xi32> to vector<16x1xi32>
          %gather3A_167 = vector.shape_cast %reshape3A_166 : vector<16x1xi32> to vector<16xi32>
          %gather3A_168 = tpu.dynamic_gather %get3A_126[%gather3A_167] in [0] : vector<16xi32>, vector<16xi32> -> vector<16xi32>
          %or3A_169 = arith.ori %gather3A_158, %and3A_129 : vector<16xi32>
          %or3A_170 = arith.ori %gather3A_168, %and3A_129 : vector<16xi32>
          %gather3A_171 = tpu.vector_load_idx %arg7[%or3A_169] : memref<40960xf32, #tpu.memory_space<vmem>>[vector<16xi32>], vector<16xf32>,
          tpu.vector_store_idx %arg6[%or3A_170], %gather3A_171 {add = true} : memref<40960xf32, #tpu.memory_space<vmem>>[vector<16xi32>], vector<16xf32>,
          %lt3A_172 = arith.constant 0 : i32
          %lt3A_173 = vector.broadcast %lt3A_172 : i32 to vector<16xi32>
          %lt3A_174 = arith.cmpi slt, %add3A_18, %lt3A_173 : vector<16xi32>
          %add3A_175 = arith.constant 16 : i32
          %add3A_176 = vector.broadcast %add3A_175 : i32 to vector<16xi32>
          %add3A_177 = arith.addi %add3A_18, %add3A_176 : vector<16xi32>
          %select_n3A_178 = arith.select %lt3A_174, %add3A_177, %add3A_18 : vector<16xi1>, vector<16xi32>
          %reshape3A_179 = vector.shape_cast %select_n3A_178 : vector<16xi32> to vector<16x1xi32>
          %gather3A_180 = vector.shape_cast %reshape3A_179 : vector<16x1xi32> to vector<16xi32>
          %gather3A_181 = tpu.dynamic_gather %get3A_122[%gather3A_180] in [0] : vector<16xi32>, vector<16xi32> -> vector<16xi32>
          %lt3A_182 = arith.constant 0 : i32
          %lt3A_183 = vector.broadcast %lt3A_182 : i32 to vector<16xi32>
          %lt3A_184 = arith.cmpi slt, %add3A_18, %lt3A_183 : vector<16xi32>
          %add3A_185 = arith.constant 16 : i32
          %add3A_186 = vector.broadcast %add3A_185 : i32 to vector<16xi32>
          %add3A_187 = arith.addi %add3A_18, %add3A_186 : vector<16xi32>
          %select_n3A_188 = arith.select %lt3A_184, %add3A_187, %add3A_18 : vector<16xi1>, vector<16xi32>
          %reshape3A_189 = vector.shape_cast %select_n3A_188 : vector<16xi32> to vector<16x1xi32>
          %gather3A_190 = vector.shape_cast %reshape3A_189 : vector<16x1xi32> to vector<16xi32>
          %gather3A_191 = tpu.dynamic_gather %get3A_126[%gather3A_190] in [0] : vector<16xi32>, vector<16xi32> -> vector<16xi32>
          %or3A_192 = arith.ori %gather3A_181, %and3A_129 : vector<16xi32>
          %or3A_193 = arith.ori %gather3A_191, %and3A_129 : vector<16xi32>
          %gather3A_194 = tpu.vector_load_idx %arg7[%or3A_192] : memref<40960xf32, #tpu.memory_space<vmem>>[vector<16xi32>], vector<16xf32>,
          tpu.vector_store_idx %arg6[%or3A_193], %gather3A_194 {add = true} : memref<40960xf32, #tpu.memory_space<vmem>>[vector<16xi32>], vector<16xf32>,
          %lt3A_195 = arith.constant 0 : i32
          %lt3A_196 = vector.broadcast %lt3A_195 : i32 to vector<16xi32>
          %lt3A_197 = arith.cmpi slt, %add3A_21, %lt3A_196 : vector<16xi32>
          %add3A_198 = arith.constant 16 : i32
          %add3A_199 = vector.broadcast %add3A_198 : i32 to vector<16xi32>
          %add3A_200 = arith.addi %add3A_21, %add3A_199 : vector<16xi32>
          %select_n3A_201 = arith.select %lt3A_197, %add3A_200, %add3A_21 : vector<16xi1>, vector<16xi32>
          %reshape3A_202 = vector.shape_cast %select_n3A_201 : vector<16xi32> to vector<16x1xi32>
          %gather3A_203 = vector.shape_cast %reshape3A_202 : vector<16x1xi32> to vector<16xi32>
          %gather3A_204 = tpu.dynamic_gather %get3A_122[%gather3A_203] in [0] : vector<16xi32>, vector<16xi32> -> vector<16xi32>
          %lt3A_205 = arith.constant 0 : i32
          %lt3A_206 = vector.broadcast %lt3A_205 : i32 to vector<16xi32>
          %lt3A_207 = arith.cmpi slt, %add3A_21, %lt3A_206 : vector<16xi32>
          %add3A_208 = arith.constant 16 : i32
          %add3A_209 = vector.broadcast %add3A_208 : i32 to vector<16xi32>
          %add3A_210 = arith.addi %add3A_21, %add3A_209 : vector<16xi32>
          %select_n3A_211 = arith.select %lt3A_207, %add3A_210, %add3A_21 : vector<16xi1>, vector<16xi32>
          %reshape3A_212 = vector.shape_cast %select_n3A_211 : vector<16xi32> to vector<16x1xi32>
          %gather3A_213 = vector.shape_cast %reshape3A_212 : vector<16x1xi32> to vector<16xi32>
          %gather3A_214 = tpu.dynamic_gather %get3A_126[%gather3A_213] in [0] : vector<16xi32>, vector<16xi32> -> vector<16xi32>
          %or3A_215 = arith.ori %gather3A_204, %and3A_129 : vector<16xi32>
          %or3A_216 = arith.ori %gather3A_214, %and3A_129 : vector<16xi32>
          %gather3A_217 = tpu.vector_load_idx %arg7[%or3A_215] : memref<40960xf32, #tpu.memory_space<vmem>>[vector<16xi32>], vector<16xf32>,
          tpu.vector_store_idx %arg6[%or3A_216], %gather3A_217 {add = true} : memref<40960xf32, #tpu.memory_space<vmem>>[vector<16xi32>], vector<16xf32>,
        }
        %scan3A_114 = arith.constant 512 : i32
      } else {
      }
    }
    %scan3A_43 = arith.constant 20 : i32
    %mul3A_44 = arith.constant 4 : i32
    %mul3A_45 = vector.broadcast %mul3A_44 : i32 to vector<16xi32>
    %mul3A_46 = arith.muli %iota3A, %mul3A_45 : vector<16xi32>
    %scan3A_47 = arith.constant 0 : i32
    %scan3A_48 = arith.constant 640 : i32
    %scan3A_49 = arith.addi %scan3A_47, %scan3A_48 : i32
    %scan3A_50 = arith.constant 1 : i32
    scf.for %scan3A_67 = %scan3A_47 to %scan3A_49 step %scan3A_50  : i32 {
      %mul3A_68 = arith.constant 1 : i32
      %mul3A_69 = arith.muli %scan3A_67, %mul3A_68 : i32
      %add3A_70 = arith.constant 0 : i32
      %add3A_71 = arith.addi %add3A_70, %mul3A_69 : i32
      %mul3A_72 = arith.constant 64 : i32
      %mul3A_73 = arith.muli %add3A_71, %mul3A_72 : i32
      %add3A_74 = arith.constant 0 : i32
      %add3A_75 = arith.addi %mul3A_73, %add3A_74 : i32
      %add3A_76 = vector.broadcast %add3A_75 : i32 to vector<16xi32>
      %add3A_77 = arith.addi %mul3A_46, %add3A_76 : vector<16xi32>
      %gather3A = tpu.vector_load_idx %arg6[%add3A_77] : memref<40960xf32, #tpu.memory_space<vmem>>[vector<16xi32>], vector<16xf32>,
      %mul3A_78 = arith.constant 16 : i32
      %mul3A_79 = arith.muli %add3A_71, %mul3A_78 : i32
      %add3A_80 = arith.constant 0 : i32
      %add3A_81 = arith.addi %add3A_80, %mul3A_79 : i32
      %swap3A = arith.index_cast %add3A_81 : i32 to index
      %swap3A_82 = tpu.vector_load %arg7[%swap3A] {strides = array<i32>} : memref<40960xf32, #tpu.memory_space<vmem>>, vector<16xf32>,
      tpu.vector_store %arg7[%swap3A], %gather3A {strides = array<i32>} : memref<40960xf32, #tpu.memory_space<vmem>>, vector<16xf32>,
    }
    %scan3A_51 = arith.constant 640 : i32
    %scan3A_52 = arith.constant 0 : i32
    %scan3A_53 = arith.constant 640 : i32
    %scan3A_54 = arith.addi %scan3A_52, %scan3A_53 : i32
    %scan3A_55 = arith.constant 1 : i32
    scf.for %scan3A_67 = %scan3A_52 to %scan3A_54 step %scan3A_55  : i32 {
      %mul3A_68 = arith.constant 1 : i32
      %mul3A_69 = arith.muli %scan3A_67, %mul3A_68 : i32
      %add3A_70 = arith.constant 0 : i32
      %add3A_71 = arith.addi %add3A_70, %mul3A_69 : i32
      %mul3A_72 = arith.constant 64 : i32
      %mul3A_73 = arith.muli %add3A_71, %mul3A_72 : i32
      %add3A_74 = arith.constant 1 : i32
      %add3A_75 = arith.addi %mul3A_73, %add3A_74 : i32
      %add3A_76 = vector.broadcast %add3A_75 : i32 to vector<16xi32>
      %add3A_77 = arith.addi %mul3A_46, %add3A_76 : vector<16xi32>
      %gather3A = tpu.vector_load_idx %arg6[%add3A_77] : memref<40960xf32, #tpu.memory_space<vmem>>[vector<16xi32>], vector<16xf32>,
      %mul3A_78 = arith.constant 16 : i32
      %mul3A_79 = arith.muli %add3A_71, %mul3A_78 : i32
      %add3A_80 = arith.constant 10240 : i32
      %add3A_81 = arith.addi %add3A_80, %mul3A_79 : i32
      %swap3A = arith.index_cast %add3A_81 : i32 to index
      %swap3A_82 = tpu.vector_load %arg7[%swap3A] {strides = array<i32>} : memref<40960xf32, #tpu.memory_space<vmem>>, vector<16xf32>,
      tpu.vector_store %arg7[%swap3A], %gather3A {strides = array<i32>} : memref<40960xf32, #tpu.memory_space<vmem>>, vector<16xf32>,
    }
    %scan3A_56 = arith.constant 640 : i32
    %scan3A_57 = arith.constant 0 : i32
    %scan3A_58 = arith.constant 640 : i32
    %scan3A_59 = arith.addi %scan3A_57, %scan3A_58 : i32
    %scan3A_60 = arith.constant 1 : i32
    scf.for %scan3A_67 = %scan3A_57 to %scan3A_59 step %scan3A_60  : i32 {
      %mul3A_68 = arith.constant 1 : i32
      %mul3A_69 = arith.muli %scan3A_67, %mul3A_68 : i32
      %add3A_70 = arith.constant 0 : i32
      %add3A_71 = arith.addi %add3A_70, %mul3A_69 : i32
      %mul3A_72 = arith.constant 64 : i32
      %mul3A_73 = arith.muli %add3A_71, %mul3A_72 : i32
      %add3A_74 = arith.constant 2 : i32
      %add3A_75 = arith.addi %mul3A_73, %add3A_74 : i32
      %add3A_76 = vector.broadcast %add3A_75 : i32 to vector<16xi32>
      %add3A_77 = arith.addi %mul3A_46, %add3A_76 : vector<16xi32>
      %gather3A = tpu.vector_load_idx %arg6[%add3A_77] : memref<40960xf32, #tpu.memory_space<vmem>>[vector<16xi32>], vector<16xf32>,
      %mul3A_78 = arith.constant 16 : i32
      %mul3A_79 = arith.muli %add3A_71, %mul3A_78 : i32
      %add3A_80 = arith.constant 20480 : i32
      %add3A_81 = arith.addi %add3A_80, %mul3A_79 : i32
      %swap3A = arith.index_cast %add3A_81 : i32 to index
      %swap3A_82 = tpu.vector_load %arg7[%swap3A] {strides = array<i32>} : memref<40960xf32, #tpu.memory_space<vmem>>, vector<16xf32>,
      tpu.vector_store %arg7[%swap3A], %gather3A {strides = array<i32>} : memref<40960xf32, #tpu.memory_space<vmem>>, vector<16xf32>,
    }
    %scan3A_61 = arith.constant 640 : i32
    %scan3A_62 = arith.constant 0 : i32
    %scan3A_63 = arith.constant 640 : i32
    %scan3A_64 = arith.addi %scan3A_62, %scan3A_63 : i32
    %scan3A_65 = arith.constant 1 : i32
    scf.for %scan3A_67 = %scan3A_62 to %scan3A_64 step %scan3A_65  : i32 {
      %mul3A_68 = arith.constant 1 : i32
      %mul3A_69 = arith.muli %scan3A_67, %mul3A_68 : i32
      %add3A_70 = arith.constant 0 : i32
      %add3A_71 = arith.addi %add3A_70, %mul3A_69 : i32
      %mul3A_72 = arith.constant 64 : i32
      %mul3A_73 = arith.muli %add3A_71, %mul3A_72 : i32
      %add3A_74 = arith.constant 3 : i32
      %add3A_75 = arith.addi %mul3A_73, %add3A_74 : i32
      %add3A_76 = vector.broadcast %add3A_75 : i32 to vector<16xi32>
      %add3A_77 = arith.addi %mul3A_46, %add3A_76 : vector<16xi32>
      %gather3A = tpu.vector_load_idx %arg6[%add3A_77] : memref<40960xf32, #tpu.memory_space<vmem>>[vector<16xi32>], vector<16xf32>,
      %mul3A_78 = arith.constant 16 : i32
      %mul3A_79 = arith.muli %add3A_71, %mul3A_78 : i32
      %add3A_80 = arith.constant 30720 : i32
      %add3A_81 = arith.addi %add3A_80, %mul3A_79 : i32
      %swap3A = arith.index_cast %add3A_81 : i32 to index
      %swap3A_82 = tpu.vector_load %arg7[%swap3A] {strides = array<i32>} : memref<40960xf32, #tpu.memory_space<vmem>>, vector<16xf32>,
      tpu.vector_store %arg7[%swap3A], %gather3A {strides = array<i32>} : memref<40960xf32, #tpu.memory_space<vmem>>, vector<16xf32>,
    }
    %scan3A_66 = arith.constant 640 : i32
    "tpu.region"() ({
      %run_scoped3A = tpu.sem_alloc : memref<!tpu.dma_semaphore, #tpu.memory_space<semaphore_mem>>
      %dma_start3A_67 = tpu.memref_slice %arg5[%mul3A_2] : memref<1310720xf32, #tpu.memory_space<hbm>> -> memref<40960xf32, #tpu.memory_space<hbm>>
      %dma_start3A_68 = tpu.memref_slice %arg5[%mul3A_2] : memref<1310720xf32, #tpu.memory_space<hbm>> -> memref<40960xf32, #tpu.memory_space<hbm>>
      tpu.enqueue_dma source(%arg7 : memref<40960xf32, #tpu.memory_space<vmem>>) target(%dma_start3A_68 : memref<40960xf32, #tpu.memory_space<hbm>>) target_semaphore(%run_scoped3A : memref<!tpu.dma_semaphore, #tpu.memory_space<semaphore_mem>>)
      %dma_wait3A = tpu.memref_slice %arg5[%mul3A_2] : memref<1310720xf32, #tpu.memory_space<hbm>> -> memref<40960xf32, #tpu.memory_space<hbm>>
      %dma_wait3A_69 = tpu.memref_slice %arg5[%mul3A_2] : memref<1310720xf32, #tpu.memory_space<hbm>> -> memref<40960xf32, #tpu.memory_space<hbm>>
      tpu.wait_dma2 semaphore(%run_scoped3A : memref<!tpu.dma_semaphore, #tpu.memory_space<semaphore_mem>>) src(%arg7 : memref<40960xf32, #tpu.memory_space<vmem>>) dst(%dma_wait3A_69 : memref<40960xf32, #tpu.memory_space<hbm>>)
      tpu.yield
    }) : () -> ()
    return
  }
}

#map = affine_map<(d0, d1) -> (0)>
module attributes {stable_mosaic.version = 14 : i64} {
  func.func @prop(%arg0: i32, %arg1: i32, %arg2: memref<1310720xf32, #tpu.memory_space<hbm>>, %arg3: memref<327680xi32, #tpu.memory_space<hbm>>, %arg4: memref<327680xi32, #tpu.memory_space<hbm>>, %arg5: memref<1310720xf32, #tpu.memory_space<hbm>>, %arg6: memref<40960xf32, #tpu.memory_space<vmem>>, %arg7: memref<40960xf32, #tpu.memory_space<vmem>>, %arg8: memref<8192xi32, #tpu.memory_space<vmem>>, %arg9: memref<8192xi32, #tpu.memory_space<vmem>>, %arg10: memref<8192xi32, #tpu.memory_space<vmem>>, %arg11: memref<8192xi32, #tpu.memory_space<vmem>>, %arg12: memref<!tpu.dma_semaphore, #tpu.memory_space<semaphore_mem>>, %arg13: memref<!tpu.dma_semaphore, #tpu.memory_space<semaphore_mem>>) attributes {dimension_semantics = [#tpu.dimension_semantics<core_parallel>, #tpu.dimension_semantics<subcore_parallel>], iteration_bounds = array<i64: 2, 16>, scalar_prefetch = 0 : i64, scratch_operands = 8 : i64, tpu.core_type = #tpu.core_type<sc_vector_subcore>, window_params = [{transform_indices = #map}, {transform_indices = #map}, {transform_indices = #map}, {transform_indices = #map}]} {
    %mul3A = arith.constant 16 : i32
    %mul3A_0 = arith.muli %arg0, %mul3A : i32
    %add3A = arith.addi %mul3A_0, %arg1 : i32
    %mul3A_1 = arith.constant 40960 : i32
    %mul3A_2 = arith.muli %add3A, %mul3A_1 : i32
    "tpu.region"() ({
      %run_scoped3A = tpu.sem_alloc : memref<!tpu.dma_semaphore, #tpu.memory_space<semaphore_mem>>
      %dma_start3A_67 = tpu.memref_slice %arg2[%mul3A_2] : memref<1310720xf32, #tpu.memory_space<hbm>> -> memref<40960xf32, #tpu.memory_space<hbm>>
      %dma_start3A_68 = tpu.memref_slice %arg2[%mul3A_2] : memref<1310720xf32, #tpu.memory_space<hbm>> -> memref<40960xf32, #tpu.memory_space<hbm>>
      tpu.enqueue_dma source(%dma_start3A_68 : memref<40960xf32, #tpu.memory_space<hbm>>) target(%arg6 : memref<40960xf32, #tpu.memory_space<vmem>>) target_semaphore(%run_scoped3A : memref<!tpu.dma_semaphore, #tpu.memory_space<semaphore_mem>>)
      %dma_wait3A = tpu.memref_slice %arg2[%mul3A_2] : memref<1310720xf32, #tpu.memory_space<hbm>> -> memref<40960xf32, #tpu.memory_space<hbm>>
      %dma_wait3A_69 = tpu.memref_slice %arg2[%mul3A_2] : memref<1310720xf32, #tpu.memory_space<hbm>> -> memref<40960xf32, #tpu.memory_space<hbm>>
      tpu.wait_dma2 semaphore(%run_scoped3A : memref<!tpu.dma_semaphore, #tpu.memory_space<semaphore_mem>>) src(%dma_wait3A_69 : memref<40960xf32, #tpu.memory_space<hbm>>) dst(%arg6 : memref<40960xf32, #tpu.memory_space<vmem>>)
      tpu.yield
    }) : () -> ()
    %iota3A = tpu.iota {dimensions = array<i32: 0>} : vector<16xi32>
    %and3A = arith.constant 3 : i32
    %and3A_3 = vector.broadcast %and3A : i32 to vector<16xi32>
    %and3A_4 = arith.andi %iota3A, %and3A_3 : vector<16xi32>
    %mul3A_5 = arith.constant 10240 : i32
    %mul3A_6 = vector.broadcast %mul3A_5 : i32 to vector<16xi32>
    %mul3A_7 = arith.muli %and3A_4, %mul3A_6 : vector<16xi32>
    %shift_right_logical3A = arith.constant 2 : i32
    %shift_right_logical3A_8 = vector.broadcast %shift_right_logical3A : i32 to vector<16xi32>
    %shift_right_logical3A_9 = arith.shrui %iota3A, %shift_right_logical3A_8 : vector<16xi32>
    %add3A_10 = arith.constant 0 : i32
    %add3A_11 = vector.broadcast %add3A_10 : i32 to vector<16xi32>
    %add3A_12 = arith.addi %shift_right_logical3A_9, %add3A_11 : vector<16xi32>
    %add3A_13 = arith.constant 4 : i32
    %add3A_14 = vector.broadcast %add3A_13 : i32 to vector<16xi32>
    %add3A_15 = arith.addi %shift_right_logical3A_9, %add3A_14 : vector<16xi32>
    %add3A_16 = arith.constant 8 : i32
    %add3A_17 = vector.broadcast %add3A_16 : i32 to vector<16xi32>
    %add3A_18 = arith.addi %shift_right_logical3A_9, %add3A_17 : vector<16xi32>
    %add3A_19 = arith.constant 12 : i32
    %add3A_20 = vector.broadcast %add3A_19 : i32 to vector<16xi32>
    %add3A_21 = arith.addi %shift_right_logical3A_9, %add3A_20 : vector<16xi32>
    %add3A_22 = arith.addi %mul3A_7, %shift_right_logical3A_9 : vector<16xi32>
    %scan3A = arith.constant 0 : i32
    %scan3A_23 = arith.constant 2560 : i32
    %scan3A_24 = arith.addi %scan3A, %scan3A_23 : i32
    %scan3A_25 = arith.constant 1 : i32
    scf.for %scan3A_67 = %scan3A to %scan3A_24 step %scan3A_25  : i32 {
      %mul3A_68 = arith.constant 1 : i32
      %mul3A_69 = arith.muli %scan3A_67, %mul3A_68 : i32
      %add3A_70 = arith.constant 0 : i32
      %add3A_71 = arith.addi %add3A_70, %mul3A_69 : i32
      %mul3A_72 = arith.constant 4 : i32
      %mul3A_73 = arith.muli %mul3A_72, %add3A_71 : i32
      %add3A_74 = vector.broadcast %mul3A_73 : i32 to vector<16xi32>
      %add3A_75 = arith.addi %add3A_22, %add3A_74 : vector<16xi32>
      %gather3A = tpu.vector_load_idx %arg6[%add3A_75] : memref<40960xf32, #tpu.memory_space<vmem>>[vector<16xi32>], vector<16xf32>,
      %mul3A_76 = arith.constant 16 : i32
      %mul3A_77 = arith.muli %add3A_71, %mul3A_76 : i32
      %swap3A = arith.index_cast %mul3A_77 : i32 to index
      %swap3A_78 = tpu.vector_load %arg7[%swap3A] {strides = array<i32>} : memref<40960xf32, #tpu.memory_space<vmem>>, vector<16xf32>,
      tpu.vector_store %arg7[%swap3A], %gather3A {strides = array<i32>} : memref<40960xf32, #tpu.memory_space<vmem>>, vector<16xf32>,
    }
    %scan3A_26 = arith.constant 2560 : i32
    %scan3A_27 = arith.constant 0 : i32
    %scan3A_28 = arith.constant 2560 : i32
    %scan3A_29 = arith.addi %scan3A_27, %scan3A_28 : i32
    %scan3A_30 = arith.constant 1 : i32
    scf.for %scan3A_67 = %scan3A_27 to %scan3A_29 step %scan3A_30  : i32 {
      %mul3A_68 = arith.constant 1 : i32
      %mul3A_69 = arith.muli %scan3A_67, %mul3A_68 : i32
      %add3A_70 = arith.constant 0 : i32
      %add3A_71 = arith.addi %add3A_70, %mul3A_69 : i32
      %mul3A_72 = arith.constant 16 : i32
      %mul3A_73 = arith.muli %add3A_71, %mul3A_72 : i32
      %get3A = arith.index_cast %mul3A_73 : i32 to index
      %get3A_74 = tpu.vector_load %arg7[%get3A] {strides = array<i32>} : memref<40960xf32, #tpu.memory_space<vmem>>, vector<16xf32>,
      %mul3A_75 = arith.constant 16 : i32
      %mul3A_76 = arith.muli %add3A_71, %mul3A_75 : i32
      %swap3A = arith.index_cast %mul3A_76 : i32 to index
      %swap3A_77 = tpu.vector_load %arg6[%swap3A] {strides = array<i32>} : memref<40960xf32, #tpu.memory_space<vmem>>, vector<16xf32>,
      tpu.vector_store %arg6[%swap3A], %get3A_74 {strides = array<i32>} : memref<40960xf32, #tpu.memory_space<vmem>>, vector<16xf32>,
    }
    %scan3A_31 = arith.constant 2560 : i32
    %dma_start3A = arith.constant 0 : i32
    %dma_start3A_32 = tpu.memref_slice %arg3[%dma_start3A] : memref<327680xi32, #tpu.memory_space<hbm>> -> memref<8192xi32, #tpu.memory_space<hbm>>
    %dma_start3A_33 = arith.constant 0 : i32
    %dma_start3A_34 = tpu.memref_slice %arg3[%dma_start3A_33] : memref<327680xi32, #tpu.memory_space<hbm>> -> memref<8192xi32, #tpu.memory_space<hbm>>
    tpu.enqueue_dma source(%dma_start3A_34 : memref<8192xi32, #tpu.memory_space<hbm>>) target(%arg8 : memref<8192xi32, #tpu.memory_space<vmem>>) target_semaphore(%arg12 : memref<!tpu.dma_semaphore, #tpu.memory_space<semaphore_mem>>)
    %dma_start3A_35 = arith.constant 0 : i32
    %dma_start3A_36 = tpu.memref_slice %arg4[%dma_start3A_35] : memref<327680xi32, #tpu.memory_space<hbm>> -> memref<8192xi32, #tpu.memory_space<hbm>>
    %dma_start3A_37 = arith.constant 0 : i32
    %dma_start3A_38 = tpu.memref_slice %arg4[%dma_start3A_37] : memref<327680xi32, #tpu.memory_space<hbm>> -> memref<8192xi32, #tpu.memory_space<hbm>>
    tpu.enqueue_dma source(%dma_start3A_38 : memref<8192xi32, #tpu.memory_space<hbm>>) target(%arg9 : memref<8192xi32, #tpu.memory_space<vmem>>) target_semaphore(%arg12 : memref<!tpu.dma_semaphore, #tpu.memory_space<semaphore_mem>>)
    %scan3A_39 = arith.constant 0 : i32
    %scan3A_40 = arith.constant 20 : i32
    %scan3A_41 = arith.addi %scan3A_39, %scan3A_40 : i32
    %scan3A_42 = arith.constant 1 : i32
    scf.for %scan3A_67 = %scan3A_39 to %scan3A_41 step %scan3A_42  : i32 {
      %mul3A_68 = arith.constant 2 : i32
      %mul3A_69 = arith.muli %scan3A_67, %mul3A_68 : i32
      %add3A_70 = arith.constant 0 : i32
      %add3A_71 = arith.addi %add3A_70, %mul3A_69 : i32
      %dma_wait3A = arith.constant 0 : i32
      %dma_wait3A_72 = tpu.memref_slice %arg3[%dma_wait3A] : memref<327680xi32, #tpu.memory_space<hbm>> -> memref<8192xi32, #tpu.memory_space<hbm>>
      %dma_wait3A_73 = arith.constant 0 : i32
      %dma_wait3A_74 = tpu.memref_slice %arg3[%dma_wait3A_73] : memref<327680xi32, #tpu.memory_space<hbm>> -> memref<8192xi32, #tpu.memory_space<hbm>>
      tpu.wait_dma2 semaphore(%arg12 : memref<!tpu.dma_semaphore, #tpu.memory_space<semaphore_mem>>) src(%dma_wait3A_74 : memref<8192xi32, #tpu.memory_space<hbm>>) dst(%arg8 : memref<8192xi32, #tpu.memory_space<vmem>>)
      %dma_wait3A_75 = arith.constant 0 : i32
      %dma_wait3A_76 = tpu.memref_slice %arg4[%dma_wait3A_75] : memref<327680xi32, #tpu.memory_space<hbm>> -> memref<8192xi32, #tpu.memory_space<hbm>>
      %dma_wait3A_77 = arith.constant 0 : i32
      %dma_wait3A_78 = tpu.memref_slice %arg4[%dma_wait3A_77] : memref<327680xi32, #tpu.memory_space<hbm>> -> memref<8192xi32, #tpu.memory_space<hbm>>
      tpu.wait_dma2 semaphore(%arg12 : memref<!tpu.dma_semaphore, #tpu.memory_space<semaphore_mem>>) src(%dma_wait3A_78 : memref<8192xi32, #tpu.memory_space<hbm>>) dst(%arg9 : memref<8192xi32, #tpu.memory_space<vmem>>)
      %add3A_79 = arith.constant 1 : i32
      %add3A_80 = arith.addi %add3A_71, %add3A_79 : i32
      %lt3A = arith.constant 40 : i32
      %lt3A_81 = arith.cmpi slt, %add3A_80, %lt3A : i32
      %convert_element_type3A = arith.extui %lt3A_81 : i1 to i32
      %cond3A = arith.constant 0 : i32
      %cond3A_82 = arith.cmpi ne, %convert_element_type3A, %cond3A : i32
      scf.if %cond3A_82 {
        %add3A_95 = arith.constant 1 : i32
        %add3A_96 = arith.addi %add3A_71, %add3A_95 : i32
        %mul3A_97 = arith.constant 8192 : i32
        %mul3A_98 = arith.muli %add3A_96, %mul3A_97 : i32
        %dma_start3A_99 = tpu.memref_slice %arg3[%mul3A_98] : memref<327680xi32, #tpu.memory_space<hbm>> -> memref<8192xi32, #tpu.memory_space<hbm>>
        %dma_start3A_100 = tpu.memref_slice %arg3[%mul3A_98] : memref<327680xi32, #tpu.memory_space<hbm>> -> memref<8192xi32, #tpu.memory_space<hbm>>
        tpu.enqueue_dma source(%dma_start3A_100 : memref<8192xi32, #tpu.memory_space<hbm>>) target(%arg10 : memref<8192xi32, #tpu.memory_space<vmem>>) target_semaphore(%arg13 : memref<!tpu.dma_semaphore, #tpu.memory_space<semaphore_mem>>)
        %mul3A_101 = arith.constant 8192 : i32
        %mul3A_102 = arith.muli %add3A_96, %mul3A_101 : i32
        %dma_start3A_103 = tpu.memref_slice %arg4[%mul3A_102] : memref<327680xi32, #tpu.memory_space<hbm>> -> memref<8192xi32, #tpu.memory_space<hbm>>
        %dma_start3A_104 = tpu.memref_slice %arg4[%mul3A_102] : memref<327680xi32, #tpu.memory_space<hbm>> -> memref<8192xi32, #tpu.memory_space<hbm>>
        tpu.enqueue_dma source(%dma_start3A_104 : memref<8192xi32, #tpu.memory_space<hbm>>) target(%arg11 : memref<8192xi32, #tpu.memory_space<vmem>>) target_semaphore(%arg13 : memref<!tpu.dma_semaphore, #tpu.memory_space<semaphore_mem>>)
      } else {
      }
      %scan3A_83 = arith.constant 0 : i32
      %scan3A_84 = arith.constant 512 : i32
      %scan3A_85 = arith.addi %scan3A_83, %scan3A_84 : i32
      %scan3A_86 = arith.constant 1 : i32
      scf.for %scan3A_95 = %scan3A_83 to %scan3A_85 step %scan3A_86  : i32 {
        %mul3A_96 = arith.constant 1 : i32
        %mul3A_97 = arith.muli %scan3A_95, %mul3A_96 : i32
        %add3A_98 = arith.constant 0 : i32
        %add3A_99 = arith.addi %add3A_98, %mul3A_97 : i32
        %mul3A_100 = arith.constant 16 : i32
        %mul3A_101 = arith.muli %add3A_99, %mul3A_100 : i32
        %get3A = arith.index_cast %mul3A_101 : i32 to index
        %get3A_102 = tpu.vector_load %arg8[%get3A] {strides = array<i32>} : memref<8192xi32, #tpu.memory_space<vmem>>, vector<16xi32>,
        %mul3A_103 = arith.constant 16 : i32
        %mul3A_104 = arith.muli %add3A_99, %mul3A_103 : i32
        %get3A_105 = arith.index_cast %mul3A_104 : i32 to index
        %get3A_106 = tpu.vector_load %arg9[%get3A_105] {strides = array<i32>} : memref<8192xi32, #tpu.memory_space<vmem>>, vector<16xi32>,
        %and3A_107 = arith.constant 3 : i32
        %and3A_108 = vector.broadcast %and3A_107 : i32 to vector<16xi32>
        %and3A_109 = arith.andi %iota3A, %and3A_108 : vector<16xi32>
        %lt3A_110 = arith.constant 0 : i32
        %lt3A_111 = vector.broadcast %lt3A_110 : i32 to vector<16xi32>
        %lt3A_112 = arith.cmpi slt, %add3A_12, %lt3A_111 : vector<16xi32>
        %add3A_113 = arith.constant 16 : i32
        %add3A_114 = vector.broadcast %add3A_113 : i32 to vector<16xi32>
        %add3A_115 = arith.addi %add3A_12, %add3A_114 : vector<16xi32>
        %select_n3A = arith.select %lt3A_112, %add3A_115, %add3A_12 : vector<16xi1>, vector<16xi32>
        %reshape3A = vector.shape_cast %select_n3A : vector<16xi32> to vector<16x1xi32>
        %gather3A = vector.shape_cast %reshape3A : vector<16x1xi32> to vector<16xi32>
        %gather3A_116 = tpu.dynamic_gather %get3A_102[%gather3A] in [0] : vector<16xi32>, vector<16xi32> -> vector<16xi32>
        %lt3A_117 = arith.constant 0 : i32
        %lt3A_118 = vector.broadcast %lt3A_117 : i32 to vector<16xi32>
        %lt3A_119 = arith.cmpi slt, %add3A_12, %lt3A_118 : vector<16xi32>
        %add3A_120 = arith.constant 16 : i32
        %add3A_121 = vector.broadcast %add3A_120 : i32 to vector<16xi32>
        %add3A_122 = arith.addi %add3A_12, %add3A_121 : vector<16xi32>
        %select_n3A_123 = arith.select %lt3A_119, %add3A_122, %add3A_12 : vector<16xi1>, vector<16xi32>
        %reshape3A_124 = vector.shape_cast %select_n3A_123 : vector<16xi32> to vector<16x1xi32>
        %gather3A_125 = vector.shape_cast %reshape3A_124 : vector<16x1xi32> to vector<16xi32>
        %gather3A_126 = tpu.dynamic_gather %get3A_106[%gather3A_125] in [0] : vector<16xi32>, vector<16xi32> -> vector<16xi32>
        %or3A = arith.ori %gather3A_116, %and3A_109 : vector<16xi32>
        %or3A_127 = arith.ori %gather3A_126, %and3A_109 : vector<16xi32>
        %gather3A_128 = tpu.vector_load_idx %arg7[%or3A] : memref<40960xf32, #tpu.memory_space<vmem>>[vector<16xi32>], vector<16xf32>,
        tpu.vector_store_idx %arg6[%or3A_127], %gather3A_128 {add = true} : memref<40960xf32, #tpu.memory_space<vmem>>[vector<16xi32>], vector<16xf32>,
        %lt3A_129 = arith.constant 0 : i32
        %lt3A_130 = vector.broadcast %lt3A_129 : i32 to vector<16xi32>
        %lt3A_131 = arith.cmpi slt, %add3A_15, %lt3A_130 : vector<16xi32>
        %add3A_132 = arith.constant 16 : i32
        %add3A_133 = vector.broadcast %add3A_132 : i32 to vector<16xi32>
        %add3A_134 = arith.addi %add3A_15, %add3A_133 : vector<16xi32>
        %select_n3A_135 = arith.select %lt3A_131, %add3A_134, %add3A_15 : vector<16xi1>, vector<16xi32>
        %reshape3A_136 = vector.shape_cast %select_n3A_135 : vector<16xi32> to vector<16x1xi32>
        %gather3A_137 = vector.shape_cast %reshape3A_136 : vector<16x1xi32> to vector<16xi32>
        %gather3A_138 = tpu.dynamic_gather %get3A_102[%gather3A_137] in [0] : vector<16xi32>, vector<16xi32> -> vector<16xi32>
        %lt3A_139 = arith.constant 0 : i32
        %lt3A_140 = vector.broadcast %lt3A_139 : i32 to vector<16xi32>
        %lt3A_141 = arith.cmpi slt, %add3A_15, %lt3A_140 : vector<16xi32>
        %add3A_142 = arith.constant 16 : i32
        %add3A_143 = vector.broadcast %add3A_142 : i32 to vector<16xi32>
        %add3A_144 = arith.addi %add3A_15, %add3A_143 : vector<16xi32>
        %select_n3A_145 = arith.select %lt3A_141, %add3A_144, %add3A_15 : vector<16xi1>, vector<16xi32>
        %reshape3A_146 = vector.shape_cast %select_n3A_145 : vector<16xi32> to vector<16x1xi32>
        %gather3A_147 = vector.shape_cast %reshape3A_146 : vector<16x1xi32> to vector<16xi32>
        %gather3A_148 = tpu.dynamic_gather %get3A_106[%gather3A_147] in [0] : vector<16xi32>, vector<16xi32> -> vector<16xi32>
        %or3A_149 = arith.ori %gather3A_138, %and3A_109 : vector<16xi32>
        %or3A_150 = arith.ori %gather3A_148, %and3A_109 : vector<16xi32>
        %gather3A_151 = tpu.vector_load_idx %arg7[%or3A_149] : memref<40960xf32, #tpu.memory_space<vmem>>[vector<16xi32>], vector<16xf32>,
        tpu.vector_store_idx %arg6[%or3A_150], %gather3A_151 {add = true} : memref<40960xf32, #tpu.memory_space<vmem>>[vector<16xi32>], vector<16xf32>,
        %lt3A_152 = arith.constant 0 : i32
        %lt3A_153 = vector.broadcast %lt3A_152 : i32 to vector<16xi32>
        %lt3A_154 = arith.cmpi slt, %add3A_18, %lt3A_153 : vector<16xi32>
        %add3A_155 = arith.constant 16 : i32
        %add3A_156 = vector.broadcast %add3A_155 : i32 to vector<16xi32>
        %add3A_157 = arith.addi %add3A_18, %add3A_156 : vector<16xi32>
        %select_n3A_158 = arith.select %lt3A_154, %add3A_157, %add3A_18 : vector<16xi1>, vector<16xi32>
        %reshape3A_159 = vector.shape_cast %select_n3A_158 : vector<16xi32> to vector<16x1xi32>
        %gather3A_160 = vector.shape_cast %reshape3A_159 : vector<16x1xi32> to vector<16xi32>
        %gather3A_161 = tpu.dynamic_gather %get3A_102[%gather3A_160] in [0] : vector<16xi32>, vector<16xi32> -> vector<16xi32>
        %lt3A_162 = arith.constant 0 : i32
        %lt3A_163 = vector.broadcast %lt3A_162 : i32 to vector<16xi32>
        %lt3A_164 = arith.cmpi slt, %add3A_18, %lt3A_163 : vector<16xi32>
        %add3A_165 = arith.constant 16 : i32
        %add3A_166 = vector.broadcast %add3A_165 : i32 to vector<16xi32>
        %add3A_167 = arith.addi %add3A_18, %add3A_166 : vector<16xi32>
        %select_n3A_168 = arith.select %lt3A_164, %add3A_167, %add3A_18 : vector<16xi1>, vector<16xi32>
        %reshape3A_169 = vector.shape_cast %select_n3A_168 : vector<16xi32> to vector<16x1xi32>
        %gather3A_170 = vector.shape_cast %reshape3A_169 : vector<16x1xi32> to vector<16xi32>
        %gather3A_171 = tpu.dynamic_gather %get3A_106[%gather3A_170] in [0] : vector<16xi32>, vector<16xi32> -> vector<16xi32>
        %or3A_172 = arith.ori %gather3A_161, %and3A_109 : vector<16xi32>
        %or3A_173 = arith.ori %gather3A_171, %and3A_109 : vector<16xi32>
        %gather3A_174 = tpu.vector_load_idx %arg7[%or3A_172] : memref<40960xf32, #tpu.memory_space<vmem>>[vector<16xi32>], vector<16xf32>,
        tpu.vector_store_idx %arg6[%or3A_173], %gather3A_174 {add = true} : memref<40960xf32, #tpu.memory_space<vmem>>[vector<16xi32>], vector<16xf32>,
        %lt3A_175 = arith.constant 0 : i32
        %lt3A_176 = vector.broadcast %lt3A_175 : i32 to vector<16xi32>
        %lt3A_177 = arith.cmpi slt, %add3A_21, %lt3A_176 : vector<16xi32>
        %add3A_178 = arith.constant 16 : i32
        %add3A_179 = vector.broadcast %add3A_178 : i32 to vector<16xi32>
        %add3A_180 = arith.addi %add3A_21, %add3A_179 : vector<16xi32>
        %select_n3A_181 = arith.select %lt3A_177, %add3A_180, %add3A_21 : vector<16xi1>, vector<16xi32>
        %reshape3A_182 = vector.shape_cast %select_n3A_181 : vector<16xi32> to vector<16x1xi32>
        %gather3A_183 = vector.shape_cast %reshape3A_182 : vector<16x1xi32> to vector<16xi32>
        %gather3A_184 = tpu.dynamic_gather %get3A_102[%gather3A_183] in [0] : vector<16xi32>, vector<16xi32> -> vector<16xi32>
        %lt3A_185 = arith.constant 0 : i32
        %lt3A_186 = vector.broadcast %lt3A_185 : i32 to vector<16xi32>
        %lt3A_187 = arith.cmpi slt, %add3A_21, %lt3A_186 : vector<16xi32>
        %add3A_188 = arith.constant 16 : i32
        %add3A_189 = vector.broadcast %add3A_188 : i32 to vector<16xi32>
        %add3A_190 = arith.addi %add3A_21, %add3A_189 : vector<16xi32>
        %select_n3A_191 = arith.select %lt3A_187, %add3A_190, %add3A_21 : vector<16xi1>, vector<16xi32>
        %reshape3A_192 = vector.shape_cast %select_n3A_191 : vector<16xi32> to vector<16x1xi32>
        %gather3A_193 = vector.shape_cast %reshape3A_192 : vector<16x1xi32> to vector<16xi32>
        %gather3A_194 = tpu.dynamic_gather %get3A_106[%gather3A_193] in [0] : vector<16xi32>, vector<16xi32> -> vector<16xi32>
        %or3A_195 = arith.ori %gather3A_184, %and3A_109 : vector<16xi32>
        %or3A_196 = arith.ori %gather3A_194, %and3A_109 : vector<16xi32>
        %gather3A_197 = tpu.vector_load_idx %arg7[%or3A_195] : memref<40960xf32, #tpu.memory_space<vmem>>[vector<16xi32>], vector<16xf32>,
        tpu.vector_store_idx %arg6[%or3A_196], %gather3A_197 {add = true} : memref<40960xf32, #tpu.memory_space<vmem>>[vector<16xi32>], vector<16xf32>,
      }
      %scan3A_87 = arith.constant 512 : i32
      %add3A_88 = arith.constant 1 : i32
      %add3A_89 = arith.addi %add3A_71, %add3A_88 : i32
      %lt3A_90 = arith.constant 40 : i32
      %lt3A_91 = arith.cmpi slt, %add3A_89, %lt3A_90 : i32
      %convert_element_type3A_92 = arith.extui %lt3A_91 : i1 to i32
      %cond3A_93 = arith.constant 0 : i32
      %cond3A_94 = arith.cmpi ne, %convert_element_type3A_92, %cond3A_93 : i32
      scf.if %cond3A_94 {
        %dma_wait3A_95 = arith.constant 0 : i32
        %dma_wait3A_96 = tpu.memref_slice %arg3[%dma_wait3A_95] : memref<327680xi32, #tpu.memory_space<hbm>> -> memref<8192xi32, #tpu.memory_space<hbm>>
        %dma_wait3A_97 = arith.constant 0 : i32
        %dma_wait3A_98 = tpu.memref_slice %arg3[%dma_wait3A_97] : memref<327680xi32, #tpu.memory_space<hbm>> -> memref<8192xi32, #tpu.memory_space<hbm>>
        tpu.wait_dma2 semaphore(%arg13 : memref<!tpu.dma_semaphore, #tpu.memory_space<semaphore_mem>>) src(%dma_wait3A_98 : memref<8192xi32, #tpu.memory_space<hbm>>) dst(%arg10 : memref<8192xi32, #tpu.memory_space<vmem>>)
        %dma_wait3A_99 = arith.constant 0 : i32
        %dma_wait3A_100 = tpu.memref_slice %arg4[%dma_wait3A_99] : memref<327680xi32, #tpu.memory_space<hbm>> -> memref<8192xi32, #tpu.memory_space<hbm>>
        %dma_wait3A_101 = arith.constant 0 : i32
        %dma_wait3A_102 = tpu.memref_slice %arg4[%dma_wait3A_101] : memref<327680xi32, #tpu.memory_space<hbm>> -> memref<8192xi32, #tpu.memory_space<hbm>>
        tpu.wait_dma2 semaphore(%arg13 : memref<!tpu.dma_semaphore, #tpu.memory_space<semaphore_mem>>) src(%dma_wait3A_102 : memref<8192xi32, #tpu.memory_space<hbm>>) dst(%arg11 : memref<8192xi32, #tpu.memory_space<vmem>>)
        %add3A_103 = arith.constant 2 : i32
        %add3A_104 = arith.addi %add3A_71, %add3A_103 : i32
        %lt3A_105 = arith.constant 40 : i32
        %lt3A_106 = arith.cmpi slt, %add3A_104, %lt3A_105 : i32
        %convert_element_type3A_107 = arith.extui %lt3A_106 : i1 to i32
        %cond3A_108 = arith.constant 0 : i32
        %cond3A_109 = arith.cmpi ne, %convert_element_type3A_107, %cond3A_108 : i32
        scf.if %cond3A_109 {
          %add3A_115 = arith.constant 2 : i32
          %add3A_116 = arith.addi %add3A_71, %add3A_115 : i32
          %mul3A_117 = arith.constant 8192 : i32
          %mul3A_118 = arith.muli %add3A_116, %mul3A_117 : i32
          %dma_start3A_119 = tpu.memref_slice %arg3[%mul3A_118] : memref<327680xi32, #tpu.memory_space<hbm>> -> memref<8192xi32, #tpu.memory_space<hbm>>
          %dma_start3A_120 = tpu.memref_slice %arg3[%mul3A_118] : memref<327680xi32, #tpu.memory_space<hbm>> -> memref<8192xi32, #tpu.memory_space<hbm>>
          tpu.enqueue_dma source(%dma_start3A_120 : memref<8192xi32, #tpu.memory_space<hbm>>) target(%arg8 : memref<8192xi32, #tpu.memory_space<vmem>>) target_semaphore(%arg12 : memref<!tpu.dma_semaphore, #tpu.memory_space<semaphore_mem>>)
          %mul3A_121 = arith.constant 8192 : i32
          %mul3A_122 = arith.muli %add3A_116, %mul3A_121 : i32
          %dma_start3A_123 = tpu.memref_slice %arg4[%mul3A_122] : memref<327680xi32, #tpu.memory_space<hbm>> -> memref<8192xi32, #tpu.memory_space<hbm>>
          %dma_start3A_124 = tpu.memref_slice %arg4[%mul3A_122] : memref<327680xi32, #tpu.memory_space<hbm>> -> memref<8192xi32, #tpu.memory_space<hbm>>
          tpu.enqueue_dma source(%dma_start3A_124 : memref<8192xi32, #tpu.memory_space<hbm>>) target(%arg9 : memref<8192xi32, #tpu.memory_space<vmem>>) target_semaphore(%arg12 : memref<!tpu.dma_semaphore, #tpu.memory_space<semaphore_mem>>)
        } else {
        }
        %scan3A_110 = arith.constant 0 : i32
        %scan3A_111 = arith.constant 512 : i32
        %scan3A_112 = arith.addi %scan3A_110, %scan3A_111 : i32
        %scan3A_113 = arith.constant 1 : i32
        scf.for %scan3A_115 = %scan3A_110 to %scan3A_112 step %scan3A_113  : i32 {
          %mul3A_116 = arith.constant 1 : i32
          %mul3A_117 = arith.muli %scan3A_115, %mul3A_116 : i32
          %add3A_118 = arith.constant 0 : i32
          %add3A_119 = arith.addi %add3A_118, %mul3A_117 : i32
          %mul3A_120 = arith.constant 16 : i32
          %mul3A_121 = arith.muli %add3A_119, %mul3A_120 : i32
          %get3A = arith.index_cast %mul3A_121 : i32 to index
          %get3A_122 = tpu.vector_load %arg10[%get3A] {strides = array<i32>} : memref<8192xi32, #tpu.memory_space<vmem>>, vector<16xi32>,
          %mul3A_123 = arith.constant 16 : i32
          %mul3A_124 = arith.muli %add3A_119, %mul3A_123 : i32
          %get3A_125 = arith.index_cast %mul3A_124 : i32 to index
          %get3A_126 = tpu.vector_load %arg11[%get3A_125] {strides = array<i32>} : memref<8192xi32, #tpu.memory_space<vmem>>, vector<16xi32>,
          %and3A_127 = arith.constant 3 : i32
          %and3A_128 = vector.broadcast %and3A_127 : i32 to vector<16xi32>
          %and3A_129 = arith.andi %iota3A, %and3A_128 : vector<16xi32>
          %lt3A_130 = arith.constant 0 : i32
          %lt3A_131 = vector.broadcast %lt3A_130 : i32 to vector<16xi32>
          %lt3A_132 = arith.cmpi slt, %add3A_12, %lt3A_131 : vector<16xi32>
          %add3A_133 = arith.constant 16 : i32
          %add3A_134 = vector.broadcast %add3A_133 : i32 to vector<16xi32>
          %add3A_135 = arith.addi %add3A_12, %add3A_134 : vector<16xi32>
          %select_n3A = arith.select %lt3A_132, %add3A_135, %add3A_12 : vector<16xi1>, vector<16xi32>
          %reshape3A = vector.shape_cast %select_n3A : vector<16xi32> to vector<16x1xi32>
          %gather3A = vector.shape_cast %reshape3A : vector<16x1xi32> to vector<16xi32>
          %gather3A_136 = tpu.dynamic_gather %get3A_122[%gather3A] in [0] : vector<16xi32>, vector<16xi32> -> vector<16xi32>
          %lt3A_137 = arith.constant 0 : i32
          %lt3A_138 = vector.broadcast %lt3A_137 : i32 to vector<16xi32>
          %lt3A_139 = arith.cmpi slt, %add3A_12, %lt3A_138 : vector<16xi32>
          %add3A_140 = arith.constant 16 : i32
          %add3A_141 = vector.broadcast %add3A_140 : i32 to vector<16xi32>
          %add3A_142 = arith.addi %add3A_12, %add3A_141 : vector<16xi32>
          %select_n3A_143 = arith.select %lt3A_139, %add3A_142, %add3A_12 : vector<16xi1>, vector<16xi32>
          %reshape3A_144 = vector.shape_cast %select_n3A_143 : vector<16xi32> to vector<16x1xi32>
          %gather3A_145 = vector.shape_cast %reshape3A_144 : vector<16x1xi32> to vector<16xi32>
          %gather3A_146 = tpu.dynamic_gather %get3A_126[%gather3A_145] in [0] : vector<16xi32>, vector<16xi32> -> vector<16xi32>
          %or3A = arith.ori %gather3A_136, %and3A_129 : vector<16xi32>
          %or3A_147 = arith.ori %gather3A_146, %and3A_129 : vector<16xi32>
          %gather3A_148 = tpu.vector_load_idx %arg7[%or3A] : memref<40960xf32, #tpu.memory_space<vmem>>[vector<16xi32>], vector<16xf32>,
          tpu.vector_store_idx %arg6[%or3A_147], %gather3A_148 {add = true} : memref<40960xf32, #tpu.memory_space<vmem>>[vector<16xi32>], vector<16xf32>,
          %lt3A_149 = arith.constant 0 : i32
          %lt3A_150 = vector.broadcast %lt3A_149 : i32 to vector<16xi32>
          %lt3A_151 = arith.cmpi slt, %add3A_15, %lt3A_150 : vector<16xi32>
          %add3A_152 = arith.constant 16 : i32
          %add3A_153 = vector.broadcast %add3A_152 : i32 to vector<16xi32>
          %add3A_154 = arith.addi %add3A_15, %add3A_153 : vector<16xi32>
          %select_n3A_155 = arith.select %lt3A_151, %add3A_154, %add3A_15 : vector<16xi1>, vector<16xi32>
          %reshape3A_156 = vector.shape_cast %select_n3A_155 : vector<16xi32> to vector<16x1xi32>
          %gather3A_157 = vector.shape_cast %reshape3A_156 : vector<16x1xi32> to vector<16xi32>
          %gather3A_158 = tpu.dynamic_gather %get3A_122[%gather3A_157] in [0] : vector<16xi32>, vector<16xi32> -> vector<16xi32>
          %lt3A_159 = arith.constant 0 : i32
          %lt3A_160 = vector.broadcast %lt3A_159 : i32 to vector<16xi32>
          %lt3A_161 = arith.cmpi slt, %add3A_15, %lt3A_160 : vector<16xi32>
          %add3A_162 = arith.constant 16 : i32
          %add3A_163 = vector.broadcast %add3A_162 : i32 to vector<16xi32>
          %add3A_164 = arith.addi %add3A_15, %add3A_163 : vector<16xi32>
          %select_n3A_165 = arith.select %lt3A_161, %add3A_164, %add3A_15 : vector<16xi1>, vector<16xi32>
          %reshape3A_166 = vector.shape_cast %select_n3A_165 : vector<16xi32> to vector<16x1xi32>
          %gather3A_167 = vector.shape_cast %reshape3A_166 : vector<16x1xi32> to vector<16xi32>
          %gather3A_168 = tpu.dynamic_gather %get3A_126[%gather3A_167] in [0] : vector<16xi32>, vector<16xi32> -> vector<16xi32>
          %or3A_169 = arith.ori %gather3A_158, %and3A_129 : vector<16xi32>
          %or3A_170 = arith.ori %gather3A_168, %and3A_129 : vector<16xi32>
          %gather3A_171 = tpu.vector_load_idx %arg7[%or3A_169] : memref<40960xf32, #tpu.memory_space<vmem>>[vector<16xi32>], vector<16xf32>,
          tpu.vector_store_idx %arg6[%or3A_170], %gather3A_171 {add = true} : memref<40960xf32, #tpu.memory_space<vmem>>[vector<16xi32>], vector<16xf32>,
          %lt3A_172 = arith.constant 0 : i32
          %lt3A_173 = vector.broadcast %lt3A_172 : i32 to vector<16xi32>
          %lt3A_174 = arith.cmpi slt, %add3A_18, %lt3A_173 : vector<16xi32>
          %add3A_175 = arith.constant 16 : i32
          %add3A_176 = vector.broadcast %add3A_175 : i32 to vector<16xi32>
          %add3A_177 = arith.addi %add3A_18, %add3A_176 : vector<16xi32>
          %select_n3A_178 = arith.select %lt3A_174, %add3A_177, %add3A_18 : vector<16xi1>, vector<16xi32>
          %reshape3A_179 = vector.shape_cast %select_n3A_178 : vector<16xi32> to vector<16x1xi32>
          %gather3A_180 = vector.shape_cast %reshape3A_179 : vector<16x1xi32> to vector<16xi32>
          %gather3A_181 = tpu.dynamic_gather %get3A_122[%gather3A_180] in [0] : vector<16xi32>, vector<16xi32> -> vector<16xi32>
          %lt3A_182 = arith.constant 0 : i32
          %lt3A_183 = vector.broadcast %lt3A_182 : i32 to vector<16xi32>
          %lt3A_184 = arith.cmpi slt, %add3A_18, %lt3A_183 : vector<16xi32>
          %add3A_185 = arith.constant 16 : i32
          %add3A_186 = vector.broadcast %add3A_185 : i32 to vector<16xi32>
          %add3A_187 = arith.addi %add3A_18, %add3A_186 : vector<16xi32>
          %select_n3A_188 = arith.select %lt3A_184, %add3A_187, %add3A_18 : vector<16xi1>, vector<16xi32>
          %reshape3A_189 = vector.shape_cast %select_n3A_188 : vector<16xi32> to vector<16x1xi32>
          %gather3A_190 = vector.shape_cast %reshape3A_189 : vector<16x1xi32> to vector<16xi32>
          %gather3A_191 = tpu.dynamic_gather %get3A_126[%gather3A_190] in [0] : vector<16xi32>, vector<16xi32> -> vector<16xi32>
          %or3A_192 = arith.ori %gather3A_181, %and3A_129 : vector<16xi32>
          %or3A_193 = arith.ori %gather3A_191, %and3A_129 : vector<16xi32>
          %gather3A_194 = tpu.vector_load_idx %arg7[%or3A_192] : memref<40960xf32, #tpu.memory_space<vmem>>[vector<16xi32>], vector<16xf32>,
          tpu.vector_store_idx %arg6[%or3A_193], %gather3A_194 {add = true} : memref<40960xf32, #tpu.memory_space<vmem>>[vector<16xi32>], vector<16xf32>,
          %lt3A_195 = arith.constant 0 : i32
          %lt3A_196 = vector.broadcast %lt3A_195 : i32 to vector<16xi32>
          %lt3A_197 = arith.cmpi slt, %add3A_21, %lt3A_196 : vector<16xi32>
          %add3A_198 = arith.constant 16 : i32
          %add3A_199 = vector.broadcast %add3A_198 : i32 to vector<16xi32>
          %add3A_200 = arith.addi %add3A_21, %add3A_199 : vector<16xi32>
          %select_n3A_201 = arith.select %lt3A_197, %add3A_200, %add3A_21 : vector<16xi1>, vector<16xi32>
          %reshape3A_202 = vector.shape_cast %select_n3A_201 : vector<16xi32> to vector<16x1xi32>
          %gather3A_203 = vector.shape_cast %reshape3A_202 : vector<16x1xi32> to vector<16xi32>
          %gather3A_204 = tpu.dynamic_gather %get3A_122[%gather3A_203] in [0] : vector<16xi32>, vector<16xi32> -> vector<16xi32>
          %lt3A_205 = arith.constant 0 : i32
          %lt3A_206 = vector.broadcast %lt3A_205 : i32 to vector<16xi32>
          %lt3A_207 = arith.cmpi slt, %add3A_21, %lt3A_206 : vector<16xi32>
          %add3A_208 = arith.constant 16 : i32
          %add3A_209 = vector.broadcast %add3A_208 : i32 to vector<16xi32>
          %add3A_210 = arith.addi %add3A_21, %add3A_209 : vector<16xi32>
          %select_n3A_211 = arith.select %lt3A_207, %add3A_210, %add3A_21 : vector<16xi1>, vector<16xi32>
          %reshape3A_212 = vector.shape_cast %select_n3A_211 : vector<16xi32> to vector<16x1xi32>
          %gather3A_213 = vector.shape_cast %reshape3A_212 : vector<16x1xi32> to vector<16xi32>
          %gather3A_214 = tpu.dynamic_gather %get3A_126[%gather3A_213] in [0] : vector<16xi32>, vector<16xi32> -> vector<16xi32>
          %or3A_215 = arith.ori %gather3A_204, %and3A_129 : vector<16xi32>
          %or3A_216 = arith.ori %gather3A_214, %and3A_129 : vector<16xi32>
          %gather3A_217 = tpu.vector_load_idx %arg7[%or3A_215] : memref<40960xf32, #tpu.memory_space<vmem>>[vector<16xi32>], vector<16xf32>,
          tpu.vector_store_idx %arg6[%or3A_216], %gather3A_217 {add = true} : memref<40960xf32, #tpu.memory_space<vmem>>[vector<16xi32>], vector<16xf32>,
        }
        %scan3A_114 = arith.constant 512 : i32
      } else {
      }
    }
    %scan3A_43 = arith.constant 20 : i32
    %mul3A_44 = arith.constant 4 : i32
    %mul3A_45 = vector.broadcast %mul3A_44 : i32 to vector<16xi32>
    %mul3A_46 = arith.muli %iota3A, %mul3A_45 : vector<16xi32>
    %scan3A_47 = arith.constant 0 : i32
    %scan3A_48 = arith.constant 640 : i32
    %scan3A_49 = arith.addi %scan3A_47, %scan3A_48 : i32
    %scan3A_50 = arith.constant 1 : i32
    scf.for %scan3A_67 = %scan3A_47 to %scan3A_49 step %scan3A_50  : i32 {
      %mul3A_68 = arith.constant 1 : i32
      %mul3A_69 = arith.muli %scan3A_67, %mul3A_68 : i32
      %add3A_70 = arith.constant 0 : i32
      %add3A_71 = arith.addi %add3A_70, %mul3A_69 : i32
      %mul3A_72 = arith.constant 64 : i32
      %mul3A_73 = arith.muli %add3A_71, %mul3A_72 : i32
      %add3A_74 = arith.constant 0 : i32
      %add3A_75 = arith.addi %mul3A_73, %add3A_74 : i32
      %add3A_76 = vector.broadcast %add3A_75 : i32 to vector<16xi32>
      %add3A_77 = arith.addi %mul3A_46, %add3A_76 : vector<16xi32>
      %gather3A = tpu.vector_load_idx %arg6[%add3A_77] : memref<40960xf32, #tpu.memory_space<vmem>>[vector<16xi32>], vector<16xf32>,
      %mul3A_78 = arith.constant 16 : i32
      %mul3A_79 = arith.muli %add3A_71, %mul3A_78 : i32
      %add3A_80 = arith.constant 0 : i32
      %add3A_81 = arith.addi %add3A_80, %mul3A_79 : i32
      %swap3A = arith.index_cast %add3A_81 : i32 to index
      %swap3A_82 = tpu.vector_load %arg7[%swap3A] {strides = array<i32>} : memref<40960xf32, #tpu.memory_space<vmem>>, vector<16xf32>,
      tpu.vector_store %arg7[%swap3A], %gather3A {strides = array<i32>} : memref<40960xf32, #tpu.memory_space<vmem>>, vector<16xf32>,
    }
    %scan3A_51 = arith.constant 640 : i32
    %scan3A_52 = arith.constant 0 : i32
    %scan3A_53 = arith.constant 640 : i32
    %scan3A_54 = arith.addi %scan3A_52, %scan3A_53 : i32
    %scan3A_55 = arith.constant 1 : i32
    scf.for %scan3A_67 = %scan3A_52 to %scan3A_54 step %scan3A_55  : i32 {
      %mul3A_68 = arith.constant 1 : i32
      %mul3A_69 = arith.muli %scan3A_67, %mul3A_68 : i32
      %add3A_70 = arith.constant 0 : i32
      %add3A_71 = arith.addi %add3A_70, %mul3A_69 : i32
      %mul3A_72 = arith.constant 64 : i32
      %mul3A_73 = arith.muli %add3A_71, %mul3A_72 : i32
      %add3A_74 = arith.constant 1 : i32
      %add3A_75 = arith.addi %mul3A_73, %add3A_74 : i32
      %add3A_76 = vector.broadcast %add3A_75 : i32 to vector<16xi32>
      %add3A_77 = arith.addi %mul3A_46, %add3A_76 : vector<16xi32>
      %gather3A = tpu.vector_load_idx %arg6[%add3A_77] : memref<40960xf32, #tpu.memory_space<vmem>>[vector<16xi32>], vector<16xf32>,
      %mul3A_78 = arith.constant 16 : i32
      %mul3A_79 = arith.muli %add3A_71, %mul3A_78 : i32
      %add3A_80 = arith.constant 10240 : i32
      %add3A_81 = arith.addi %add3A_80, %mul3A_79 : i32
      %swap3A = arith.index_cast %add3A_81 : i32 to index
      %swap3A_82 = tpu.vector_load %arg7[%swap3A] {strides = array<i32>} : memref<40960xf32, #tpu.memory_space<vmem>>, vector<16xf32>,
      tpu.vector_store %arg7[%swap3A], %gather3A {strides = array<i32>} : memref<40960xf32, #tpu.memory_space<vmem>>, vector<16xf32>,
    }
    %scan3A_56 = arith.constant 640 : i32
    %scan3A_57 = arith.constant 0 : i32
    %scan3A_58 = arith.constant 640 : i32
    %scan3A_59 = arith.addi %scan3A_57, %scan3A_58 : i32
    %scan3A_60 = arith.constant 1 : i32
    scf.for %scan3A_67 = %scan3A_57 to %scan3A_59 step %scan3A_60  : i32 {
      %mul3A_68 = arith.constant 1 : i32
      %mul3A_69 = arith.muli %scan3A_67, %mul3A_68 : i32
      %add3A_70 = arith.constant 0 : i32
      %add3A_71 = arith.addi %add3A_70, %mul3A_69 : i32
      %mul3A_72 = arith.constant 64 : i32
      %mul3A_73 = arith.muli %add3A_71, %mul3A_72 : i32
      %add3A_74 = arith.constant 2 : i32
      %add3A_75 = arith.addi %mul3A_73, %add3A_74 : i32
      %add3A_76 = vector.broadcast %add3A_75 : i32 to vector<16xi32>
      %add3A_77 = arith.addi %mul3A_46, %add3A_76 : vector<16xi32>
      %gather3A = tpu.vector_load_idx %arg6[%add3A_77] : memref<40960xf32, #tpu.memory_space<vmem>>[vector<16xi32>], vector<16xf32>,
      %mul3A_78 = arith.constant 16 : i32
      %mul3A_79 = arith.muli %add3A_71, %mul3A_78 : i32
      %add3A_80 = arith.constant 20480 : i32
      %add3A_81 = arith.addi %add3A_80, %mul3A_79 : i32
      %swap3A = arith.index_cast %add3A_81 : i32 to index
      %swap3A_82 = tpu.vector_load %arg7[%swap3A] {strides = array<i32>} : memref<40960xf32, #tpu.memory_space<vmem>>, vector<16xf32>,
      tpu.vector_store %arg7[%swap3A], %gather3A {strides = array<i32>} : memref<40960xf32, #tpu.memory_space<vmem>>, vector<16xf32>,
    }
    %scan3A_61 = arith.constant 640 : i32
    %scan3A_62 = arith.constant 0 : i32
    %scan3A_63 = arith.constant 640 : i32
    %scan3A_64 = arith.addi %scan3A_62, %scan3A_63 : i32
    %scan3A_65 = arith.constant 1 : i32
    scf.for %scan3A_67 = %scan3A_62 to %scan3A_64 step %scan3A_65  : i32 {
      %mul3A_68 = arith.constant 1 : i32
      %mul3A_69 = arith.muli %scan3A_67, %mul3A_68 : i32
      %add3A_70 = arith.constant 0 : i32
      %add3A_71 = arith.addi %add3A_70, %mul3A_69 : i32
      %mul3A_72 = arith.constant 64 : i32
      %mul3A_73 = arith.muli %add3A_71, %mul3A_72 : i32
      %add3A_74 = arith.constant 3 : i32
      %add3A_75 = arith.addi %mul3A_73, %add3A_74 : i32
      %add3A_76 = vector.broadcast %add3A_75 : i32 to vector<16xi32>
      %add3A_77 = arith.addi %mul3A_46, %add3A_76 : vector<16xi32>
      %gather3A = tpu.vector_load_idx %arg6[%add3A_77] : memref<40960xf32, #tpu.memory_space<vmem>>[vector<16xi32>], vector<16xf32>,
      %mul3A_78 = arith.constant 16 : i32
      %mul3A_79 = arith.muli %add3A_71, %mul3A_78 : i32
      %add3A_80 = arith.constant 30720 : i32
      %add3A_81 = arith.addi %add3A_80, %mul3A_79 : i32
      %swap3A = arith.index_cast %add3A_81 : i32 to index
      %swap3A_82 = tpu.vector_load %arg7[%swap3A] {strides = array<i32>} : memref<40960xf32, #tpu.memory_space<vmem>>, vector<16xf32>,
      tpu.vector_store %arg7[%swap3A], %gather3A {strides = array<i32>} : memref<40960xf32, #tpu.memory_space<vmem>>, vector<16xf32>,
    }
    %scan3A_66 = arith.constant 640 : i32
    "tpu.region"() ({
      %run_scoped3A = tpu.sem_alloc : memref<!tpu.dma_semaphore, #tpu.memory_space<semaphore_mem>>
      %dma_start3A_67 = tpu.memref_slice %arg5[%mul3A_2] : memref<1310720xf32, #tpu.memory_space<hbm>> -> memref<40960xf32, #tpu.memory_space<hbm>>
      %dma_start3A_68 = tpu.memref_slice %arg5[%mul3A_2] : memref<1310720xf32, #tpu.memory_space<hbm>> -> memref<40960xf32, #tpu.memory_space<hbm>>
      tpu.enqueue_dma source(%arg7 : memref<40960xf32, #tpu.memory_space<vmem>>) target(%dma_start3A_68 : memref<40960xf32, #tpu.memory_space<hbm>>) target_semaphore(%run_scoped3A : memref<!tpu.dma_semaphore, #tpu.memory_space<semaphore_mem>>)
      %dma_wait3A = tpu.memref_slice %arg5[%mul3A_2] : memref<1310720xf32, #tpu.memory_space<hbm>> -> memref<40960xf32, #tpu.memory_space<hbm>>
      %dma_wait3A_69 = tpu.memref_slice %arg5[%mul3A_2] : memref<1310720xf32, #tpu.memory_space<hbm>> -> memref<40960xf32, #tpu.memory_space<hbm>>
      tpu.wait_dma2 semaphore(%run_scoped3A : memref<!tpu.dma_semaphore, #tpu.memory_space<semaphore_mem>>) src(%arg7 : memref<40960xf32, #tpu.memory_space<vmem>>) dst(%dma_wait3A_69 : memref<40960xf32, #tpu.memory_space<hbm>>)
      tpu.yield
    }) : () -> ()
    return
  }
}

module attributes {stable_mosaic.version = 14 : i64} {
  func.func @_tc_reduce_body(%arg0: memref<32x10240xf32, #tpu.memory_space<vmem>>, %arg1: memref<2560x128xi32, #tpu.memory_space<vmem>>, %arg2: memref<2560x128xi32, #tpu.memory_space<vmem>>, %arg3: memref<1x10240xf32, #tpu.memory_space<vmem>>, %arg4: memref<2560x128xi32, #tpu.memory_space<vmem>>, %arg5: memref<2560x128xi32, #tpu.memory_space<vmem>>) attributes {dimension_semantics = [], scalar_prefetch = 0 : i64, scratch_operands = 0 : i64, tpu.core_type = #tpu.core_type<tc>} {
    %get3A = arith.constant 0 : index
    %get3A_0 = arith.constant 0 : index
    %get3A_1 = vector.load %arg0[%get3A, %get3A_0] : memref<32x10240xf32, #tpu.memory_space<vmem>>, vector<32x10240xf32>
    %reduce_sum3A = arith.constant dense<0.000000e+00> : vector<10240xf32>
    %reduce_sum3A_2 = vector.multi_reduction <add>, %get3A_1, %reduce_sum3A [0] : vector<32x10240xf32> to vector<10240xf32>
    %broadcast_in_dim3A = vector.shape_cast %reduce_sum3A_2 : vector<10240xf32> to vector<1x10240xf32>
    %swap3A = arith.constant 0 : index
    %swap3A_3 = arith.constant 0 : index
    %swap3A_4 = vector.load %arg3[%swap3A, %swap3A_3] : memref<1x10240xf32, #tpu.memory_space<vmem>>, vector<1x10240xf32>
    tpu.vector_store %arg3[%swap3A, %swap3A_3], %broadcast_in_dim3A {strides = array<i32>} : memref<1x10240xf32, #tpu.memory_space<vmem>>, vector<1x10240xf32>,
    %get3A_5 = arith.constant 0 : index
    %get3A_6 = arith.constant 0 : index
    %get3A_7 = vector.load %arg1[%get3A_5, %get3A_6] : memref<2560x128xi32, #tpu.memory_space<vmem>>, vector<2560x128xi32>
    %mul3A = arith.constant 4 : i32
    %mul3A_8 = vector.broadcast %mul3A : i32 to vector<2560x128xi32>
    %mul3A_9 = arith.muli %get3A_7, %mul3A_8 : vector<2560x128xi32>
    %swap3A_10 = arith.constant 0 : index
    %swap3A_11 = arith.constant 0 : index
    %swap3A_12 = vector.load %arg4[%swap3A_10, %swap3A_11] : memref<2560x128xi32, #tpu.memory_space<vmem>>, vector<2560x128xi32>
    tpu.vector_store %arg4[%swap3A_10, %swap3A_11], %mul3A_9 {strides = array<i32>} : memref<2560x128xi32, #tpu.memory_space<vmem>>, vector<2560x128xi32>,
    %get3A_13 = arith.constant 0 : index
    %get3A_14 = arith.constant 0 : index
    %get3A_15 = vector.load %arg2[%get3A_13, %get3A_14] : memref<2560x128xi32, #tpu.memory_space<vmem>>, vector<2560x128xi32>
    %mul3A_16 = arith.constant 4 : i32
    %mul3A_17 = vector.broadcast %mul3A_16 : i32 to vector<2560x128xi32>
    %mul3A_18 = arith.muli %get3A_15, %mul3A_17 : vector<2560x128xi32>
    %swap3A_19 = arith.constant 0 : index
    %swap3A_20 = arith.constant 0 : index
    %swap3A_21 = vector.load %arg5[%swap3A_19, %swap3A_20] : memref<2560x128xi32, #tpu.memory_space<vmem>>, vector<2560x128xi32>
    tpu.vector_store %arg5[%swap3A_19, %swap3A_20], %mul3A_18 {strides = array<i32>} : memref<2560x128xi32, #tpu.memory_space<vmem>>, vector<2560x128xi32>,
    return
  }
}

module attributes {stable_mosaic.version = 14 : i64} {
  func.func @_tc_scale_body(%arg0: memref<10240x1xf32, #tpu.memory_space<vmem>>, %arg1: memref<10240x128xf32, #tpu.memory_space<vmem>>, %arg2: memref<10240x1xf32, #tpu.memory_space<vmem>>, %arg3: memref<10240x128xf32, #tpu.memory_space<vmem>>) attributes {dimension_semantics = [], scalar_prefetch = 0 : i64, scratch_operands = 0 : i64, tpu.core_type = #tpu.core_type<tc>} {
    %get3A = arith.constant 0 : index
    %get3A_0 = arith.constant 0 : index
    %get3A_1 = vector.load %arg0[%get3A, %get3A_0] : memref<10240x1xf32, #tpu.memory_space<vmem>>, vector<10240x1xf32>
    %add3A = arith.constant 1.000000e+00 : f32
    %add3A_2 = vector.broadcast %add3A : f32 to vector<10240x1xf32>
    %add3A_3 = arith.addf %get3A_1, %add3A_2 : vector<10240x1xf32>
    %rsqrt3A = math.rsqrt %add3A_3 : vector<10240x1xf32>
    %swap3A = arith.constant 0 : index
    %swap3A_4 = arith.constant 0 : index
    %swap3A_5 = vector.load %arg2[%swap3A, %swap3A_4] : memref<10240x1xf32, #tpu.memory_space<vmem>>, vector<10240x1xf32>
    tpu.vector_store %arg2[%swap3A, %swap3A_4], %rsqrt3A {strides = array<i32>} : memref<10240x1xf32, #tpu.memory_space<vmem>>, vector<10240x1xf32>,
    %get3A_6 = arith.constant 0 : index
    %get3A_7 = arith.constant 0 : index
    %get3A_8 = vector.load %arg1[%get3A_6, %get3A_7] : memref<10240x128xf32, #tpu.memory_space<vmem>>, vector<10240x128xf32>
    %mul3A = vector.broadcast %rsqrt3A : vector<10240x1xf32> to vector<10240x128xf32>
    %mul3A_9 = arith.mulf %get3A_8, %mul3A : vector<10240x128xf32>
    %swap3A_10 = arith.constant 0 : index
    %swap3A_11 = arith.constant 0 : index
    %swap3A_12 = vector.load %arg3[%swap3A_10, %swap3A_11] : memref<10240x128xf32, #tpu.memory_space<vmem>>, vector<10240x128xf32>
    tpu.vector_store %arg3[%swap3A_10, %swap3A_11], %mul3A_9 {strides = array<i32>} : memref<10240x128xf32, #tpu.memory_space<vmem>>, vector<10240x128xf32>,
    return
  }
}

module attributes {stable_mosaic.version = 14 : i64} {
  func.func @_tc_mid_body(%arg0: memref<10240x128xf32, #tpu.memory_space<vmem>>, %arg1: memref<10240x1xf32, #tpu.memory_space<vmem>>, %arg2: memref<128x256xf32, #tpu.memory_space<vmem>>, %arg3: memref<1x256xf32, #tpu.memory_space<vmem>>, %arg4: memref<256x128xf32, #tpu.memory_space<vmem>>, %arg5: memref<10240x128xf32, #tpu.memory_space<vmem>>) attributes {dimension_semantics = [], scalar_prefetch = 0 : i64, scratch_operands = 0 : i64, tpu.core_type = #tpu.core_type<tc>} {
    %get3A = arith.constant 0 : index
    %get3A_0 = arith.constant 0 : index
    %get3A_1 = vector.load %arg0[%get3A, %get3A_0] : memref<10240x128xf32, #tpu.memory_space<vmem>>, vector<10240x128xf32>
    %get3A_2 = arith.constant 0 : index
    %get3A_3 = arith.constant 0 : index
    %get3A_4 = vector.load %arg1[%get3A_2, %get3A_3] : memref<10240x1xf32, #tpu.memory_space<vmem>>, vector<10240x1xf32>
    %mul3A = vector.broadcast %get3A_4 : vector<10240x1xf32> to vector<10240x128xf32>
    %mul3A_5 = arith.mulf %get3A_1, %mul3A : vector<10240x128xf32>
    %get3A_6 = arith.constant 0 : index
    %get3A_7 = arith.constant 0 : index
    %get3A_8 = vector.load %arg2[%get3A_6, %get3A_7] : memref<128x256xf32, #tpu.memory_space<vmem>>, vector<128x256xf32>
    %dot_general3A = arith.constant dense<0.000000e+00> : vector<10240x256xf32>
    %dot_general3A_9 = tpu.matmul %mul3A_5, %get3A_8, %dot_general3A {dimension_numbers = #tpu.dot_dimension_numbers<[1], [0], [0], [1], [0, 0, 1, 1], [], []>, transpose_lhs_hint = false} : vector<10240x128xf32>, vector<128x256xf32>, vector<10240x256xf32> -> vector<10240x256xf32>
    %get3A_10 = arith.constant 0 : index
    %get3A_11 = arith.constant 0 : index
    %get3A_12 = vector.load %arg3[%get3A_10, %get3A_11] : memref<1x256xf32, #tpu.memory_space<vmem>>, vector<1x256xf32>
    %add3A = vector.broadcast %get3A_12 : vector<1x256xf32> to vector<10240x256xf32>
    %add3A_13 = arith.addf %dot_general3A_9, %add3A : vector<10240x256xf32>
    %max3A = arith.constant 0.000000e+00 : f32
    %max3A_14 = vector.broadcast %max3A : f32 to vector<10240x256xf32>
    %max3A_15 = arith.maximumf %add3A_13, %max3A_14 : vector<10240x256xf32>
    %get3A_16 = arith.constant 0 : index
    %get3A_17 = arith.constant 0 : index
    %get3A_18 = vector.load %arg4[%get3A_16, %get3A_17] : memref<256x128xf32, #tpu.memory_space<vmem>>, vector<256x128xf32>
    %dot_general3A_19 = arith.constant dense<0.000000e+00> : vector<10240x128xf32>
    %dot_general3A_20 = tpu.matmul %max3A_15, %get3A_18, %dot_general3A_19 {dimension_numbers = #tpu.dot_dimension_numbers<[1], [0], [0], [1], [0, 0, 1, 1], [], []>, transpose_lhs_hint = false} : vector<10240x256xf32>, vector<256x128xf32>, vector<10240x128xf32> -> vector<10240x128xf32>
    %get3A_21 = arith.constant 0 : index
    %get3A_22 = arith.constant 0 : index
    %get3A_23 = vector.load %arg1[%get3A_21, %get3A_22] : memref<10240x1xf32, #tpu.memory_space<vmem>>, vector<10240x1xf32>
    %mul3A_24 = vector.broadcast %get3A_23 : vector<10240x1xf32> to vector<10240x128xf32>
    %mul3A_25 = arith.mulf %dot_general3A_20, %mul3A_24 : vector<10240x128xf32>
    %swap3A = arith.constant 0 : index
    %swap3A_26 = arith.constant 0 : index
    %swap3A_27 = vector.load %arg5[%swap3A, %swap3A_26] : memref<10240x128xf32, #tpu.memory_space<vmem>>, vector<10240x128xf32>
    tpu.vector_store %arg5[%swap3A, %swap3A_26], %mul3A_25 {strides = array<i32>} : memref<10240x128xf32, #tpu.memory_space<vmem>>, vector<10240x128xf32>,
    return
  }
}

module attributes {stable_mosaic.version = 14 : i64} {
  func.func @_tc_out_body(%arg0: memref<10240x128xf32, #tpu.memory_space<vmem>>, %arg1: memref<10240x1xf32, #tpu.memory_space<vmem>>, %arg2: memref<1x128xf32, #tpu.memory_space<vmem>>, %arg3: memref<10240x128xf32, #tpu.memory_space<vmem>>) attributes {dimension_semantics = [], scalar_prefetch = 0 : i64, scratch_operands = 0 : i64, tpu.core_type = #tpu.core_type<tc>} {
    %get3A = arith.constant 0 : index
    %get3A_0 = arith.constant 0 : index
    %get3A_1 = vector.load %arg0[%get3A, %get3A_0] : memref<10240x128xf32, #tpu.memory_space<vmem>>, vector<10240x128xf32>
    %get3A_2 = arith.constant 0 : index
    %get3A_3 = arith.constant 0 : index
    %get3A_4 = vector.load %arg1[%get3A_2, %get3A_3] : memref<10240x1xf32, #tpu.memory_space<vmem>>, vector<10240x1xf32>
    %mul3A = vector.broadcast %get3A_4 : vector<10240x1xf32> to vector<10240x128xf32>
    %mul3A_5 = arith.mulf %get3A_1, %mul3A : vector<10240x128xf32>
    %get3A_6 = arith.constant 0 : index
    %get3A_7 = arith.constant 0 : index
    %get3A_8 = vector.load %arg2[%get3A_6, %get3A_7] : memref<1x128xf32, #tpu.memory_space<vmem>>, vector<1x128xf32>
    %add3A = vector.broadcast %get3A_8 : vector<1x128xf32> to vector<10240x128xf32>
    %add3A_9 = arith.addf %mul3A_5, %add3A : vector<10240x128xf32>
    %swap3A = arith.constant 0 : index
    %swap3A_10 = arith.constant 0 : index
    %swap3A_11 = vector.load %arg3[%swap3A, %swap3A_10] : memref<10240x128xf32, #tpu.memory_space<vmem>>, vector<10240x128xf32>
    tpu.vector_store %arg3[%swap3A, %swap3A_10], %add3A_9 {strides = array<i32>} : memref<10240x128xf32, #tpu.memory_space<vmem>>, vector<10240x128xf32>,
    return
  }
}

</mosaic_0001>

<sc_bundles>
// kernel: kernel.12.cloned.1.call-start
scs
__scs_entry_jumppad:
0x0: {  	(pc) =	sbr.rel $0x88, $3  }
0x1: {  	(tag) =	ssettag $0x0;
	lr =	simm.s32 $0x1  }
0x2: {  	[smem:$0x3F9B] =	sst lr;
	_ =	strace $0xD0000000  }
0x3: {  	_ = 	snop  }
0x4: {  	_ = 	snop  }
0x5: {  	_ = 	snop  }
0x6: {  	_ = 	snop  }
0x7: {  	_ = 	snop  }
__scs_overlays_trampoline_lowered:
0x8: {  	[smem:$0x3FAA] =	sst s0  }
0x9: {  	[smem:$0x3FAB] =	sst s1  }
0xa: {  	[smem:$0x3FAC] =	sst s2  }
0xb: {  	[smem:$0x3FAD] =	sst s3  }
0xc: {  	[smem:$0x3FAE] =	sst s4  }
0xd: {  	[smem:$0x3FAF] =	sst s5  }
0xe: {  	[smem:$0x3FB0] =	sst s6  }
0xf: {  	[smem:$0x3FB1] =	sst s7  }
0x10: {  	[smem:$0x3FB2] =	sst s8  }
0x11: {  	[smem:$0x3FB3] =	sst s9;
	s0 =	simm.s32 @!p0 $0x0  }
0x12: {  	s1 =	sld [smem:$0x3F99];
	s0 =	simm.s32 @p0 $0x1  }
0x13: {  	[smem:$0x3FB4] =	sst s0;
	s0 =	simm.s32 @!p1 $0x0  }
0x14: {  	s2 =	sld [smem:$0x3F98];
	s0 =	simm.s32 @p1 $0x1  }
0x15: {  	[smem:$0x3FB5] =	sst s0;
	s0 =	simm.s32 @!p2 $0x0  }
0x16: {  	s3 =	sld [smem:$0x3FDB];
	s0 =	simm.s32 @p2 $0x1  }
0x17: {  	s4 =	simm.s32 $0x1BF5;
	[smem:$0x3FB7] =	sst s0  }
0x18: {  	s0 =	sld [smem:$0x3F9A];
	_ =	swait.ge [sflag:s4], $0x0  }
0x19: {  	s7 =	sld [smem:$0x3F9B]  }
0x1a: {  	s8 =	sadd.s32 $0xFFFFE003, lr  }
0x1b: {  	s9 =	sadd.s32 $0xFFFFFEF7, lr;
	s5 =	simm.s32 $0xFFFFFFFF;
	p2 =	slt.u32 s8, $0xFFFFF086  }
0x1c: {  	p1 =	slt.u32 s9, $0xF7A;
	s5 =	simm.s32 @!p2 $0x0  }
0x1d: {  	s5 =	simm.s32 @p1 $0x1;
	p0 =	seq.s32 s7, s2  }
0x1e: {  	s7 =	smul.u32 @!p0 $0xF7A, s2;
	p2 =	seq.s32 @!p0 s5, $0x0  }
0x1f: {  	s9 =	smul.u32 $0xF7A, s1;
	s8 =	simm.s32 @!p0 $0x1BF5;
	p2 =	por !p2, p0  }
0x20: {  	[sflag:s8] =	ssyncset.s32 @!p0 $0xFFFFF086;
	s6 =	sadd.s32 @!p0 s3, s7;
	s7 =	simm.s32 @!p0 $0x108  }
0x21: {  	s3 =	sadd.s32 s3, s9;
	s6 =	sadd.s32 @!p0 $0x88, s6;
	s7 =	simm.s32 @p2 $0x1082  }
0x22: {  	[simem:s7], [sflag:s8] =	dma.local @!p0 [hbm:s6], $0xF7A  }
0x23: {  	s9 =	sor.u32 $0xD0000000, s2;
	s6 =	simm.s32 $0x108;
	_ =	swait.ge @!p0 [sflag:s8], $0x0  }
0x24: {  	s3 =	sadd.s32 $0x88, s3;
	s6 =	simm.s32 @!p1 $0x1082;
	[sflag:s4] =	ssyncset.s32 $0xFFFFF086  }
0x25: {  	[simem:s6], [sflag:s4] =	dma.local [hbm:s3], $0xF7A  }
0x26: {  	[smem:$0x3F9B] =	sst s1;
	(tag) =	ssettag s2;
	_ =	strace s9  }
0x27: {  	s1 =	sld [smem:$0x3FAB]  }
0x28: {  	s2 =	sld [smem:$0x3FAC]  }
0x29: {  	s4 =	sld [smem:$0x3FAE]  }
0x2a: {  	p0 =	seq.s32 s5, $0x0;
	s5 =	sld [smem:$0x3FAF]  }
0x2b: {  	s6 =	sld [smem:$0x3FB0]  }
0x2c: {  	s7 =	sld [smem:$0x3FB1]  }
0x2d: {  	s3 =	simm.s32 $0x108;
	s8 =	sld [smem:$0x3FB2]  }
0x2e: {  	s3 =	simm.s32 @!p0 $0x1082;
	s9 =	sld [smem:$0x3FB3]  }
0x2f: {  	lr =	sadd.s32 s0, s3;
	s0 =	sld [smem:$0x3FAA]  }
0x30: {  	s3 =	sld [smem:$0x3FAD]  }
0x31: {  	[smem:$0x3FB6] =	sst s10  }
0x32: {  	s10 =	sld [smem:$0x3FB4];
	_ =	sdelay $0x3  }
0x33: {  	p0 =	seq.s32 s10, $0x1;
	s10 =	sld [smem:$0x3FB6];
	_ =	sdelay $0x3  }
0x34: {  	[smem:$0x3FB6] =	sst s10  }
0x35: {  	s10 =	sld [smem:$0x3FB5];
	_ =	sdelay $0x3  }
0x36: {  	p1 =	seq.s32 s10, $0x1;
	s10 =	sld [smem:$0x3FB6];
	_ =	sdelay $0x3  }
0x37: {  	[smem:$0x3FB6] =	sst s10  }
0x38: {  	s10 =	sld [smem:$0x3FB7]  }
0x39: {  	_ = 	snop;
	(pc) =	sbr.ind lr, $3  }
0x3a: {  	_ = 	snop  }
0x3b: {  	_ = 	snop  }
0x3c: {  	p2 =	seq.s32 s10, $0x1;
	s10 =	sld [smem:$0x3FB6]  }
0x3d: {  	_ =	shalt  }
0x3e: {  	_ =	shalt  }
0x3f: {  	_ =	shalt  }
0x40: {  	_ =	shalt  }
0x41: {  	_ =	shalt  }
0x42: {  	_ =	shalt  }
0x43: {  	_ =	shalt  }
0x44: {  	_ =	shalt  }
0x45: {  	_ =	shalt  }
0x46: {  	_ =	shalt  }
0x47: {  	_ =	shalt  }
0x48: {  	_ =	shalt  }
0x49: {  	_ =	shalt  }
0x4a: {  	_ =	shalt  }
0x4b: {  	_ =	shalt  }
0x4c: {  	_ =	shalt  }
0x4d: {  	_ =	shalt  }
0x4e: {  	_ =	shalt  }
0x4f: {  	_ =	shalt  }
0x50: {  	_ =	shalt  }
0x51: {  	_ =	shalt  }
0x52: {  	_ =	shalt  }
0x53: {  	_ =	shalt  }
0x54: {  	_ =	shalt  }
0x55: {  	_ =	shalt  }
0x56: {  	_ =	shalt  }
0x57: {  	_ =	shalt  }
0x58: {  	_ =	shalt  }
0x59: {  	_ =	shalt  }
0x5a: {  	_ =	shalt  }
0x5b: {  	_ =	shalt  }
0x5c: {  	_ =	shalt  }
0x5d: {  	_ =	shalt  }
0x5e: {  	_ =	shalt  }
0x5f: {  	_ =	shalt  }
0x60: {  	_ =	shalt  }
0x61: {  	_ =	shalt  }
0x62: {  	_ =	shalt  }
0x63: {  	_ =	shalt  }
0x64: {  	_ =	shalt  }
0x65: {  	_ =	shalt  }
0x66: {  	_ =	shalt  }
0x67: {  	_ =	shalt  }
0x68: {  	_ =	shalt  }
0x69: {  	_ =	shalt  }
0x6a: {  	_ =	shalt  }
0x6b: {  	_ =	shalt  }
0x6c: {  	_ =	shalt  }
0x6d: {  	_ =	shalt  }
0x6e: {  	_ =	shalt  }
0x6f: {  	_ =	shalt  }
0x70: {  	_ =	shalt  }
0x71: {  	_ =	shalt  }
0x72: {  	_ =	shalt  }
0x73: {  	_ =	shalt  }
0x74: {  	_ =	shalt  }
0x75: {  	_ =	shalt  }
0x76: {  	_ =	shalt  }
0x77: {  	_ =	shalt  }
0x78: {  	_ =	shalt  }
0x79: {  	_ =	shalt  }
0x7a: {  	_ =	shalt  }
0x7b: {  	_ =	shalt  }
0x7c: {  	_ =	shalt  }
0x7d: {  	_ =	shalt  }
0x7e: {  	_ =	shalt  }
0x7f: {  	_ =	shalt  }
0x80: {  	_ =	shalt  }
0x81: {  	_ =	shalt  }
0x82: {  	_ =	shalt  }
0x83: {  	_ =	shalt  }
0x84: {  	_ =	shalt  }
0x85: {  	_ =	shalt  }
0x86: {  	_ =	shalt  }
0x87: {  	_ =	shalt  }
.Lfunc_end0:
.L_simem_size_0:
called_computation.1_lowered:
.L_overlay_start_0:
0x88: {  	s2 =	sld [smem:$0x3FD9]  }
0x89: {  	s3 =	sld [smem:$0x3FFE];
	_ =	sdelay $0x1  }
0x8a: {  	s1 =	srdreg.scid  }
0x8b: {  	s0 =	sand.u32 $0x1, s1  }
0x8c: {  	s17 =	sshll.u32 s0, $0xA;
	s2 =	sadd.s32 s3, s2  }
0x8d: {  	s2 =	sadd.s32 s2, s17  }
0x8e: {  	[smem:$0x3FC2] =	sst s2  }
0x8f: {  	_ = 	snop  }
0x90: {  	s2 =	sld [smem:$0x3FD0];
	(tm) =	ssettm $0x1  }
0x91: {  	s18 =	sld [smem:$0x3FFB];
	_ =	sdelay $0x3  }
0x92: {  	_ =	strace s18  }
0x93: {  	s3 =	sld [smem:$0x3FFC];
	_ =	sdelay $0x3  }
0x94: {  	_ =	strace s3  }
0x95: {  	s3 =	sld [smem:$0x3FFD];
	_ =	sdelay $0x3  }
0x96: {  	_ =	strace s3  }
0x97: {  	_ =	strace $0x8FFFFFFF  }
0x98: {  	s19 =	sld [smem:$0x3FDB];
	_ =	sdelay $0x1  }
0x99: {  	s4 =	simm.s32 $_scs_section_size  }
0x9a: {  	s5 =	simm.s32 $_size__tile_overlayer_lowered;
	s6 =	simm.s32 $_tile_overlayer_lowered  }
0x9b: {  	s22 =	simm.s32 $0x1BFF;
	s21 =	sshll.u32 s6, $0x1;
	s3 =	sadd.s32 s4, s19  }
0x9c: {  	s7 =	simm.s32 $0x0;
	s20 =	sshll.u32 s5, $0x1;
	s5 =	sadd.s32 s21, s3  }
0x9d: {  	[timem:s7], [sflag:s22] =	dma.local [hbm:s5], s20  }
0x9e: {  	_ =	swait.ge [sflag:s22], s20  }
0x9f: {  	s4 =	ssub.s32 $0x0, s20;
	[sflag:s22] =	ssyncset.done $0x0  }
0xa0: {  	[sflag:s22] =	ssyncadd.s32 s4;
	_ =	sdelay $0x1  }
0xa1: {  	s23 =	simm.s32 $0x1B8B  }
0xa2: {  	_ =	swait.ge [sflag:s23], $0x1  }
0xa3: {  	[sflag:s23] =	ssyncset.done $0x0  }
0xa4: {  	s25 =	simm.s32 $0x1B8E;
	s24 =	sld [smem:$0x3FFE];
	[sflag:s23] =	ssyncadd.s32 $0xFFFFFFFF  }
0xa5: {  	s26 =	simm.s32 $execute0_lowered;
	[smem:$0x3FD2] =	sst s25  }
0xa6: {  	s5 =	sshll.u32 s26, $0x1;
	_ =	strace $0x80000049;
	[dreg:$0x1] =	wrdreg $0xFFFFFFFF  }
0xa7: {  	s28 =	simm.s32 $_size_execute0_lowered;
	s3 =	sadd.s32 s3, s5;
	[dreg:$0x0] =	wrdreg $0x0  }
0xa8: {  	s5 =	sshll.u32 s28, $0x1;
	[dreg:$0x2] =	wrdreg s3  }
0xa9: {  	[dreg:$0x3] =	wrdreg s5  }
0xaa: {  	[dreg:$0x4] =	wrdreg $0xC0  }
0xab: {  	_ =	task [dreg:s7], $0x5FFFF  }
0xac: {  	[dreg:$0x1] =	wrdreg $0xFFFFFFFF  }
0xad: {  	[dreg:$0x0] =	wrdreg $0x60  }
0xae: {  	[dreg:$0x2] =	wrdreg s24  }
0xaf: {  	[dreg:$0x3] =	wrdreg s2  }
0xb0: {  	[dreg:$0x4] =	wrdreg $0x9  }
0xb1: {  	_ =	task.clear_ibuf [dreg:s7], $0x5FFFF;
	_ =	strace $0x90000049  }
0xb2: {  	s29 =	simm.s32 $0x9;
	_ =	strace $0x8000004B  }
0xb3: {  	_ =	swait.ge [sflag:s29], $0x1  }
0xb4: {  	[sflag:s29] =	ssyncadd.s32 $0xFFFFFFFF  }
0xb5: {  	_ =	strace $0x9000004B  }
0xb6: {  	_ =	sfence  }
0xb7: {  	s30 =	sld [smem:$0x0];
	_ =	sdelay $0x2  }
0xb8: {  	s31 =	sshll.u32 s1, $0xD;
	s1 =	sshrl.u32 s1, $0x2  }
0xb9: {  	s3 =	sand.u32 $0x4000, s31;
	s1 =	sadd.s32 s1, s30  }
0xba: {  	s0 =	sor.u32 s3, s0;
	s1 =	sshll.u32 s1, $0x11  }
0xbb: {  	s0 =	sor.u32 s1, s0  }
0xbc: {  	s0 =	sadd.s32 $0x8F2B, s0  }
0xbd: {  	[sflag:s0] =	ssyncadd.remote.s32 $0x1  }
0xbe: {  	_ =	sfence.sel $0xFFFF  }
0xbf: {  	[dreg:$0x0] =	wrdreg $0xFFFFFFFF;
	(pc) =	sbr.abs _section_cstart, $3  }
0xc0: {  	[dreg:$0x1] =	wrdreg $0xFFFFFFFF  }
0xc1: {  	_ =	task.clear_ibuf [dreg:s7], $0x2FFFF;
	_ =	strace $0x9FFFFFFF  }
0xc2: {  	(tm) =	ssettm $0x7FFFFFFF  }
0xc3: {  	_ =	shalt  }
tec
execute0_lowered:
.L_overlay_start_1:
0x0: {  	(tag) =	ssettag $0x1  }
0x1: {  	v0 =	vimm.s32 $0x7803;
	vm0 =	vcmask $0x300  }
0x2: {  	vm14 =	vcmask $0x704;
	v0 =	vsel vm0, $0x0, v0  }
0x3: {  	vm15 =	vcmask $0xB08;
	v0 =	vsel vm14, $0x2800, v0  }
0x4: {  	vm4 =	vcmask $0xF0C;
	v0 =	vsel vm15, $0x5000, v0  }
0x5: {  	vm5 =	vcmask $0x1310;
	v0 =	vsel vm4, $0x7800, v0  }
0x6: {  	vm6 =	vcmask $0x1714;
	v0 =	vsel vm5, $0x1, v0  }
0x7: {  	vm7 =	vcmask $0x1B18;
	s5 =	rddreg [dreg:$0x0];
	v0 =	vsel vm6, $0x2801, v0  }
0x8: {  	vm8 =	vcmask $0x1F1C;
	s2 =	rddreg [dreg:$0x1];
	v0 =	vsel vm7, $0x5001, v0  }
0x9: {  	s0 =	srdreg.scid;
	vm9 =	vcmask $0x2320;
	s1 =	rddreg [dreg:$0x2];
	s3 =	simm.s32 $0x0;
	v0 =	vsel vm8, $0x7801, v0  }
0xa: {  	vm10 =	vcmask $0x2724;
	s9 =	simm.s32 $0x14000;
	s10 =	simm.s32 $0x16000;
	s11 =	simm.s32 $0x1;
	v0 =	vsel vm9, $0x2, v0  }
0xb: {  	vm11 =	vcmask $0x2B28;
	s12 =	simm.s32 $0x18000;
	s13 =	simm.s32 $0x1A000;
	s4 =	sand.u32 $0x1, s0;
	v0 =	vsel vm10, $0x2802, v0  }
0xc: {  	vm12 =	vcmask $0x2F2C;
	s14 =	simm.s32 $0xA000;
	s0 =	stileid.u32;
	s6 =	sshll.u32 s4, $0x4;
	v0 =	vsel vm11, $0x5002, v0  }
0xd: {  	vm13 =	vcmask $0x3330;
	s15 =	simm.s32 $0x2;
	s16 =	simm.s32 $0x0;
	s6 =	sor.u32 s0, s6;
	v0 =	vsel vm12, $0x7802, v0  }
0xe: {  	v6 =	vlaneseq.u32;
	[smem:$0x7FF] =	sst s3;
	s7 =	ssub.s32 $0x2, s4;
	vm14 =	vcmask $0x3734;
	s6 =	smul.u32 $0x1400, s6;
	v0 =	vsel vm13, $0x3, v0  }
0xf: {  	v2 =	vand.u32 $0x3, v6;
	_ =	strace $0x8000004A;
	s4 =	sadd.s32 $0x2800, s5;
	s8 =	sshrl.u32 s7, $0x1;
	vm15 =	vcmask $0x3B38;
	v1 =	vsel vm14, $0x2803, v0  }
0x10: {  	s7 =	ssub.s32 s7, s8;
	s8 =	simm.s32 $0x3;
	s6 =	sadd.s32 s6, s5;
	v0 =	vshrl.u32 v6, $0x2;
	v6 =	vmul.u32 $0x4, v6;
	v1 =	vsel vm15, $0x5003, v1  }
0x11: {  	s7 =	smax.u32 s7, $0x1;
	s5 =	sadd.s32 $0xC800, s6;
	s6 =	sadd.s32 $0x34800, s6;
	v3 =	vor.u32 $0x4, v0;
	v4 =	vor.u32 $0x8, v0;
	v5 =	vor.u32 $0xC, v0  }
.LBB2_1:
0x12: {  	v7 =	vadd.s32 s3, v1  }
0x13: {  	[tilespmem:s3], [sflag:$0x3] =	stream.linear.gather [hbm4b:s5+s3], $0xA000, $0x38;
	[tilespmem:$0x1C000] =	vst v63  }
0x14: {  	_ =	swait.ge [sflag:s8], $0xA000  }
0x15: {  	[sflag:s8] =	ssyncset.done $0x0  }
0x16: {  	[sflag:s8] =	ssyncadd.s32 $0xFFFF6000  }
0x17: {  	s17 =	simm.s32 $0x4;
	v7 =	vld.idx.msk [tilespmem:v7+s3+$0x0], $0xffff  }
0x18: {  	v8 =	vadd.s32 s17, v1;
	_ =	sdelay $0x3  }
0x19: {  	[tilespmem:s14+$0x0] =	vst v7  }
0x1a: {  	s31 =	simm.s32 $0x8;
	v7 =	vld.idx.msk [tilespmem:v8+s3+$0x0], $0xffff  }
0x1b: {  	s18 =	simm.s32 $0xC;
	s17 =	simm.s32 $0xA000;
	v8 =	vadd.s32 s31, v1  }
.LBB2_2:
0x1c: {  	p0 =	sne.s32 s18, $0x27FC;
	_ =	sdelay $0x1  }
.Ltmp0:
0x1d: {  	s17 =	sadd.s32 $0x10, s17;
	(pc) =	sbr.rel @p0 .LBB2_2-.Ltmp0, $3  }
0x1e: {  	s19 =	simm.s32 $0x0;
	[tilespmem:s17+$0x0] =	vst v7  }
0x1f: {  	v7 =	vld.idx.msk [tilespmem:v8+s19+$0x0], $0xffff;
	_ =	sdelay $0x1  }
0x20: {  	v8 =	vadd.s32 s18, v1;
	s18 =	sadd.s32 $0x4, s18  }
0x21: {  	_ =	sdelay $0x1  }
0x22: {  	s17 =	sadd.s32 $0x10, s17  }
0x23: {  	[tilespmem:s17+$0x0] =	vst v7  }
0x24: {  	v7 =	vld.idx.msk [tilespmem:v8+s19+$0x0], $0xffff  }
0x25: {  	p0 =	por $0x1, $0x1  }
.Ltmp1:
0x26: {  	_ = 	snop;
	(pc) =	sbr.rel @!p0 .LBB2_5-.Ltmp1, $4  }
0x27: {  	_ = 	snop  }
0x28: {  	s17 =	sadd.s32 $0x10, s17  }
0x29: {  	[tilespmem:s17+$0x0] =	vst v7;
	s17 =	simm.s32 $0x0  }
0x2a: {  	s18 =	simm.s32 $0x40;
	v7 =	vld [tilespmem:s17+$0xA000]  }
.LBB2_4:
0x2b: {  	p0 =	sne.s32 s18, $0x27FC0  }
.Ltmp2:
0x2c: {  	_ = 	snop;
	(pc) =	sbr.rel @p0 .LBB2_4-.Ltmp2, $3  }
0x2d: {  	_ =	sdelay $0x1  }
0x2e: {  	[tilespmem:s17+$0x0] =	vst v7;
	s17 =	sshra.s32 s18, $0x2;
	s18 =	sadd.s32 $0x40, s18  }
0x2f: {  	v7 =	vld [tilespmem:s17+$0xA000]  }
.LBB2_5:
0x30: {  	_ =	sdelay $0x3  }
0x31: {  	[tilespmem:s17+$0x0] =	vst v7;
	s17 =	simm.s32 $0x0  }
0x32: {  	[tilespmem:s9], [sflag:$0x1] =	stream.linear.gather [hbm4b:s2+s17], $0x2000, $0x38;
	[tilespmem:$0x1C000] =	vst v63  }
0x33: {  	s18 =	simm.s32 $0x0  }
0x34: {  	[tilespmem:s10], [sflag:$0x1] =	stream.linear.gather [hbm4b:s4+s17], $0x2000, $0x38;
	[tilespmem:$0x1C000] =	vst v63  }
.LBB2_6:
0x35: {  	_ =	swait.ge [sflag:s11], $0x2000  }
0x36: {  	[sflag:s11] =	ssyncset.done $0x0  }
0x37: {  	[sflag:s11] =	ssyncadd.s32 $0xFFFFE000  }
0x38: {  	s19 =	sshll.u32 s18, $0xB;
	_ =	swait.ge [sflag:s11], $0x2000  }
0x39: {  	s20 =	sor.u32 $0x400, s19;
	[sflag:s11] =	ssyncset.done $0x0  }
0x3a: {  	s21 =	sadd.s32 s2, s20;
	[sflag:s11] =	ssyncadd.s32 $0xFFFFE000  }
0x3b: {  	[tilespmem:s12], [sflag:$0x2] =	stream.linear.gather [hbm4b:s21+s17], $0x2000, $0x38;
	[tilespmem:$0x1C000] =	vst v63  }
0x3c: {  	s31 =	simm.s32 $0x0;
	s20 =	sadd.s32 s4, s20  }
0x3d: {  	[tilespmem:s13], [sflag:$0x2] =	stream.linear.gather [hbm4b:s20+s17], $0x2000, $0x38;
	[tilespmem:$0x1C000] =	vst v63  }
0x3e: {  	v7 =	vld [tilespmem:s31+$0x14000];
	_ =	sdelay $0x4  }
0x3f: {  	v9 =	vld [tilespmem:s31+$0x16000];
	v8 =	vperm.xlane v7, v0;
	_ =	sdelay $0x1  }
0x40: {  	v8 =	vor.u32 v2, v8;
	_ =	sdelay $0x2  }
0x41: {  	v10 =	vperm.xlane v9, v0  }
0x42: {  	v11 =	vperm.xlane v7, v3  }
0x43: {  	v10 =	vor.u32 v2, v10;
	v8 =	vld.idx.msk [tilespmem:v8+s14+$0x0], $0xffff  }
0x44: {  	v11 =	vor.u32 v2, v11;
	_ =	sdelay $0x2  }
0x45: {  	v12 =	vperm.xlane v9, v3  }
0x46: {  	v13 =	vperm.xlane v7, v4;
	[tilespmem:v10+s3+$0x0] =	vst.idx.add.f32.msk $0xffff, v8  }
0x47: {  	v10 =	vor.u32 v2, v12;
	v8 =	vld.idx.msk [tilespmem:v11+s14+$0x0], $0xffff  }
0x48: {  	v11 =	vor.u32 v2, v13;
	_ =	sdelay $0x2  }
0x49: {  	v63 =	vperm.xlane v9, v4  }
0x4a: {  	v7 =	vperm.xlane v7, v5;
	[tilespmem:v10+s3+$0x0] =	vst.idx.add.f32.msk $0xffff, v8  }
0x4b: {  	v10 =	vor.u32 v2, v63;
	v8 =	vld.idx.msk [tilespmem:v11+s14+$0x0], $0xffff  }
0x4c: {  	v7 =	vor.u32 v2, v7;
	_ =	sdelay $0x2  }
0x4d: {  	v9 =	vperm.xlane v9, v5  }
0x4e: {  	[tilespmem:v10+s3+$0x0] =	vst.idx.add.f32.msk $0xffff, v8  }
0x4f: {  	s21 =	simm.s32 $0x80;
	s20 =	simm.s32 $0x40;
	v8 =	vor.u32 v2, v9;
	v7 =	vld.idx.msk [tilespmem:v7+s14+$0x0], $0xffff  }
.LBB2_7:
0x50: {  	_ =	sdelay $0x2  }
0x51: {  	p0 =	sne.s32 s21, $0x7FC0  }
0x52: {  	s22 =	sshra.s32 s20, $0x2;
	s20 =	smov.u32 s21;
	s21 =	sadd.s32 $0x40, s21;
	[tilespmem:v8+s3+$0x0] =	vst.idx.add.f32.msk $0xffff, v7  }
0x53: {  	v7 =	vld [tilespmem:s22+$0x14000];
	_ =	sdelay $0x4  }
0x54: {  	v8 =	vperm.xlane v7, v0;
	v9 =	vperm.xlane v7, v3  }
0x55: {  	v11 =	vperm.xlane v7, v4;
	v7 =	vperm.xlane v7, v5;
	v10 =	vld [tilespmem:s22+$0x16000]  }
0x56: {  	v8 =	vor.u32 v2, v8;
	_ =	sdelay $0x3  }
0x57: {  	v12 =	vperm.xlane v10, v0;
	v13 =	vperm.xlane v10, v3  }
0x58: {  	v14 =	vperm.xlane v10, v4;
	v10 =	vperm.xlane v10, v5;
	v8 =	vld.idx.msk [tilespmem:v8+s14+$0x0], $0xffff  }
0x59: {  	v12 =	vor.u32 v2, v12  }
0x5a: {  	v9 =	vor.u32 v2, v9;
	_ =	sdelay $0x3  }
0x5b: {  	[tilespmem:v12+s3+$0x0] =	vst.idx.add.f32.msk $0xffff, v8  }
0x5c: {  	v8 =	vld.idx.msk [tilespmem:v9+s14+$0x0], $0xffff  }
0x5d: {  	v9 =	vor.u32 v2, v13  }
0x5e: {  	v11 =	vor.u32 v2, v11;
	_ =	sdelay $0x3  }
0x5f: {  	[tilespmem:v9+s3+$0x0] =	vst.idx.add.f32.msk $0xffff, v8  }
0x60: {  	v8 =	vld.idx.msk [tilespmem:v11+s14+$0x0], $0xffff  }
0x61: {  	v9 =	vor.u32 v2, v14  }
0x62: {  	v7 =	vor.u32 v2, v7;
	_ =	sdelay $0x1  }
.Ltmp3:
0x63: {  	(pc) =	sbr.rel @p0 .LBB2_7-.Ltmp3, $4  }
0x64: {  	_ = 	snop  }
0x65: {  	[tilespmem:v9+s3+$0x0] =	vst.idx.add.f32.msk $0xffff, v8  }
0x66: {  	v7 =	vld.idx.msk [tilespmem:v7+s14+$0x0], $0xffff  }
0x67: {  	v8 =	vor.u32 v2, v10  }
0x68: {  	_ =	sdelay $0x3  }
0x69: {  	s20 =	sshra.s32 s20, $0x2;
	[tilespmem:v8+s3+$0x0] =	vst.idx.add.f32.msk $0xffff, v7  }
0x6a: {  	v7 =	vld [tilespmem:s20+$0x14000];
	_ =	sdelay $0x4  }
0x6b: {  	v9 =	vld [tilespmem:s20+$0x16000];
	v8 =	vperm.xlane v7, v0;
	_ =	sdelay $0x1  }
0x6c: {  	v8 =	vor.u32 v2, v8;
	_ =	sdelay $0x2  }
0x6d: {  	v10 =	vperm.xlane v9, v0  }
0x6e: {  	v11 =	vperm.xlane v7, v3  }
0x6f: {  	v10 =	vor.u32 v2, v10;
	v8 =	vld.idx.msk [tilespmem:v8+s14+$0x0], $0xffff  }
0x70: {  	v11 =	vor.u32 v2, v11;
	_ =	sdelay $0x2  }
0x71: {  	v12 =	vperm.xlane v9, v3  }
0x72: {  	v13 =	vperm.xlane v7, v4;
	[tilespmem:v10+s3+$0x0] =	vst.idx.add.f32.msk $0xffff, v8  }
0x73: {  	v10 =	vor.u32 v2, v12;
	v8 =	vld.idx.msk [tilespmem:v11+s14+$0x0], $0xffff  }
0x74: {  	v11 =	vor.u32 v2, v13;
	_ =	sdelay $0x2  }
0x75: {  	v60 =	vperm.xlane v9, v4  }
0x76: {  	v7 =	vperm.xlane v7, v5;
	[tilespmem:v10+s3+$0x0] =	vst.idx.add.f32.msk $0xffff, v8  }
0x77: {  	v10 =	vor.u32 v2, v60;
	v8 =	vld.idx.msk [tilespmem:v11+s14+$0x0], $0xffff  }
0x78: {  	v7 =	vor.u32 v2, v7;
	_ =	sdelay $0x2  }
0x79: {  	v9 =	vperm.xlane v9, v5  }
0x7a: {  	[tilespmem:v10+s3+$0x0] =	vst.idx.add.f32.msk $0xffff, v8  }
0x7b: {  	v8 =	vor.u32 v2, v9;
	v7 =	vld.idx.msk [tilespmem:v7+s14+$0x0], $0xffff;
	_ =	sdelay $0x4  }
0x7c: {  	[tilespmem:v8+s3+$0x0] =	vst.idx.add.f32.msk $0xffff, v7  }
0x7d: {  	_ =	swait.ge [sflag:s15], $0x2000  }
0x7e: {  	[sflag:s15] =	ssyncset.done $0x0  }
0x7f: {  	[sflag:s15] =	ssyncadd.s32 $0xFFFFE000  }
0x80: {  	p0 =	seq.s32 s18, $0x13;
	_ =	swait.ge [sflag:s15], $0x2000  }
0x81: {  	s19 =	sadd.s32 @!p0 $0x800, s19;
	s21 =	simm.s32 @!p0 $0x0;
	[sflag:s15] =	ssyncset.done $0x0  }
0x82: {  	s22 =	simm.s32 @!p0 $0x14000;
	s20 =	sadd.s32 @!p0 s2, s19;
	[sflag:s15] =	ssyncadd.s32 $0xFFFFE000  }
0x83: {  	[tilespmem:s22], [sflag:$0x1] =	stream.linear.gather @!p0 [hbm4b:s20+s21], $0x2000, $0x38;
	[tilespmem:$0x1C000] =	vst v63  }
0x84: {  	s31 =	simm.s32 $0x0;
	s19 =	sadd.s32 @!p0 s4, s19;
	s20 =	simm.s32 @!p0 $0x16000  }
0x85: {  	[tilespmem:s20], [sflag:$0x1] =	stream.linear.gather @!p0 [hbm4b:s19+s21], $0x2000, $0x38;
	[tilespmem:$0x1C000] =	vst v63  }
0x86: {  	v7 =	vld [tilespmem:s31+$0x18000];
	_ =	sdelay $0x4  }
0x87: {  	v9 =	vld [tilespmem:s31+$0x1A000];
	v8 =	vperm.xlane v7, v0;
	_ =	sdelay $0x1  }
0x88: {  	v8 =	vor.u32 v2, v8;
	_ =	sdelay $0x2  }
0x89: {  	v10 =	vperm.xlane v9, v0  }
0x8a: {  	v11 =	vperm.xlane v7, v3  }
0x8b: {  	v10 =	vor.u32 v2, v10;
	v8 =	vld.idx.msk [tilespmem:v8+s14+$0x0], $0xffff  }
0x8c: {  	v11 =	vor.u32 v2, v11;
	_ =	sdelay $0x2  }
0x8d: {  	v61 =	vperm.xlane v9, v3  }
0x8e: {  	v62 =	vperm.xlane v7, v4;
	[tilespmem:v10+s3+$0x0] =	vst.idx.add.f32.msk $0xffff, v8  }
0x8f: {  	v10 =	vor.u32 v2, v61;
	v8 =	vld.idx.msk [tilespmem:v11+s14+$0x0], $0xffff  }
0x90: {  	v11 =	vor.u32 v2, v62;
	_ =	sdelay $0x2  }
0x91: {  	v63 =	vperm.xlane v9, v4  }
0x92: {  	v7 =	vperm.xlane v7, v5;
	[tilespmem:v10+s3+$0x0] =	vst.idx.add.f32.msk $0xffff, v8  }
0x93: {  	v10 =	vor.u32 v2, v63;
	v8 =	vld.idx.msk [tilespmem:v11+s14+$0x0], $0xffff  }
0x94: {  	v7 =	vor.u32 v2, v7;
	_ =	sdelay $0x2  }
0x95: {  	v9 =	vperm.xlane v9, v5  }
0x96: {  	[tilespmem:v10+s3+$0x0] =	vst.idx.add.f32.msk $0xffff, v8  }
0x97: {  	s19 =	simm.s32 $0x40;
	s20 =	simm.s32 $0x80;
	v8 =	vor.u32 v2, v9;
	v7 =	vld.idx.msk [tilespmem:v7+s14+$0x0], $0xffff  }
.LBB2_9:
0x98: {  	_ =	sdelay $0x2  }
0x99: {  	p0 =	sne.s32 s20, $0x7FC0  }
0x9a: {  	s21 =	sshra.s32 s19, $0x2;
	s19 =	smov.u32 s20;
	s20 =	sadd.s32 $0x40, s20;
	[tilespmem:v8+s3+$0x0] =	vst.idx.add.f32.msk $0xffff, v7  }
0x9b: {  	v7 =	vld [tilespmem:s21+$0x18000];
	_ =	sdelay $0x4  }
0x9c: {  	v8 =	vperm.xlane v7, v0;
	v9 =	vperm.xlane v7, v3  }
0x9d: {  	v11 =	vperm.xlane v7, v4;
	v7 =	vperm.xlane v7, v5;
	v10 =	vld [tilespmem:s21+$0x1A000]  }
0x9e: {  	v8 =	vor.u32 v2, v8;
	_ =	sdelay $0x3  }
0x9f: {  	v12 =	vperm.xlane v10, v0;
	v13 =	vperm.xlane v10, v3  }
0xa0: {  	v14 =	vperm.xlane v10, v4;
	v10 =	vperm.xlane v10, v5;
	v8 =	vld.idx.msk [tilespmem:v8+s14+$0x0], $0xffff  }
0xa1: {  	v12 =	vor.u32 v2, v12  }
0xa2: {  	v9 =	vor.u32 v2, v9;
	_ =	sdelay $0x3  }
0xa3: {  	[tilespmem:v12+s3+$0x0] =	vst.idx.add.f32.msk $0xffff, v8  }
0xa4: {  	v8 =	vld.idx.msk [tilespmem:v9+s14+$0x0], $0xffff  }
0xa5: {  	v9 =	vor.u32 v2, v13  }
0xa6: {  	v11 =	vor.u32 v2, v11;
	_ =	sdelay $0x3  }
0xa7: {  	[tilespmem:v9+s3+$0x0] =	vst.idx.add.f32.msk $0xffff, v8  }
0xa8: {  	v8 =	vld.idx.msk [tilespmem:v11+s14+$0x0], $0xffff  }
0xa9: {  	v9 =	vor.u32 v2, v14  }
0xaa: {  	v7 =	vor.u32 v2, v7;
	_ =	sdelay $0x1  }
.Ltmp4:
0xab: {  	(pc) =	sbr.rel @p0 .LBB2_9-.Ltmp4, $4  }
0xac: {  	_ = 	snop  }
0xad: {  	[tilespmem:v9+s3+$0x0] =	vst.idx.add.f32.msk $0xffff, v8  }
0xae: {  	v7 =	vld.idx.msk [tilespmem:v7+s14+$0x0], $0xffff  }
0xaf: {  	v8 =	vor.u32 v2, v10  }
0xb0: {  	_ =	sdelay $0x3  }
0xb1: {  	s19 =	sshra.s32 s19, $0x2;
	[tilespmem:v8+s3+$0x0] =	vst.idx.add.f32.msk $0xffff, v7  }
0xb2: {  	v7 =	vld [tilespmem:s19+$0x18000];
	_ =	sdelay $0x4  }
0xb3: {  	v9 =	vld [tilespmem:s19+$0x1A000];
	v8 =	vperm.xlane v7, v0;
	_ =	sdelay $0x1  }
0xb4: {  	v8 =	vor.u32 v2, v8;
	_ =	sdelay $0x2  }
0xb5: {  	v10 =	vperm.xlane v9, v0  }
0xb6: {  	v11 =	vperm.xlane v7, v3  }
0xb7: {  	v10 =	vor.u32 v2, v10;
	v8 =	vld.idx.msk [tilespmem:v8+s14+$0x0], $0xffff  }
0xb8: {  	v11 =	vor.u32 v2, v11;
	_ =	sdelay $0x2  }
0xb9: {  	v12 =	vperm.xlane v9, v3  }
0xba: {  	v13 =	vperm.xlane v7, v4;
	[tilespmem:v10+s3+$0x0] =	vst.idx.add.f32.msk $0xffff, v8  }
0xbb: {  	v60 =	vor.u32 v2, v12;
	v8 =	vld.idx.msk [tilespmem:v11+s14+$0x0], $0xffff  }
0xbc: {  	v61 =	vor.u32 v2, v13;
	_ =	sdelay $0x2  }
0xbd: {  	v62 =	vperm.xlane v9, v4  }
0xbe: {  	v7 =	vperm.xlane v7, v5;
	[tilespmem:v60+s3+$0x0] =	vst.idx.add.f32.msk $0xffff, v8  }
0xbf: {  	v63 =	vor.u32 v2, v62;
	v8 =	vld.idx.msk [tilespmem:v61+s14+$0x0], $0xffff  }
0xc0: {  	v7 =	vor.u32 v2, v7;
	_ =	sdelay $0x2  }
0xc1: {  	v9 =	vperm.xlane v9, v5  }
0xc2: {  	s18 =	sadd.s32 $0x1, s18;
	[tilespmem:v63+s3+$0x0] =	vst.idx.add.f32.msk $0xffff, v8  }
0xc3: {  	p0 =	sne.s32 s18, $0x14;
	v8 =	vor.u32 v2, v9;
	v7 =	vld.idx.msk [tilespmem:v7+s14+$0x0], $0xffff  }
.Ltmp5:
0xc4: {  	_ = 	snop;
	(pc) =	sbr.rel @p0 .LBB2_6-.Ltmp5, $2  }
0xc5: {  	_ =	sdelay $0x2  }
0xc6: {  	s19 =	simm.s32 $0x0;
	[tilespmem:v8+s3+$0x0] =	vst.idx.add.f32.msk $0xffff, v7  }
0xc7: {  	v7 =	vor.u32 s19, v6;
	_ =	sdelay $0x4  }
0xc8: {  	s17 =	simm.s32 $0x40;
	v7 =	vld.idx.msk [tilespmem:v7+s19+$0x0], $0xffff  }
0xc9: {  	s18 =	simm.s32 $0x80;
	s20 =	simm.s32 $0x0;
	v8 =	vor.u32 s17, v6  }
.LBB2_12:
0xca: {  	p0 =	sne.s32 s18, $0x9FC0;
	_ =	sdelay $0x1  }
.Ltmp6:
0xcb: {  	s21 =	sshra.s32 s20, $0x2;
	s20 =	smov.u32 s17;
	(pc) =	sbr.rel @p0 .LBB2_12-.Ltmp6, $3  }
0xcc: {  	s17 =	smov.u32 s18;
	[tilespmem:s21+$0xA000] =	vst v7  }
0xcd: {  	v7 =	vld.idx.msk [tilespmem:v8+s19+$0x0], $0xffff;
	_ =	sdelay $0x1  }
0xce: {  	s18 =	sadd.s32 $0x40, s18;
	v8 =	vor.u32 s17, v6  }
0xcf: {  	_ =	sdelay $0x1  }
0xd0: {  	s18 =	sshra.s32 s20, $0x2  }
0xd1: {  	[tilespmem:s18+$0xA000] =	vst v7  }
0xd2: {  	s28 =	simm.s32 $0x1;
	v7 =	vld.idx.msk [tilespmem:v8+s19+$0x0], $0xffff  }
0xd3: {  	v8 =	vor.u32 s28, v6;
	_ =	sdelay $0x2  }
0xd4: {  	s17 =	sshra.s32 s17, $0x2  }
0xd5: {  	[tilespmem:s17+$0xA000] =	vst v7;
	s17 =	simm.s32 $0x0  }
0xd6: {  	s29 =	simm.s32 $0x41;
	v7 =	vld.idx.msk [tilespmem:v8+s17+$0x0], $0xffff  }
0xd7: {  	v8 =	vor.u32 s29, v6;
	_ =	sdelay $0x2  }
0xd8: {  	s30 =	sand.u32 $0x3FF0, s19  }
0xd9: {  	[tilespmem:s30+$0xC800] =	vst v7  }
0xda: {  	s31 =	simm.s32 $0x81;
	v7 =	vld.idx.msk [tilespmem:v8+s17+$0x0], $0xffff  }
0xdb: {  	s18 =	simm.s32 $0xC1;
	v8 =	vor.u32 s31, v6  }
.LBB2_14:
0xdc: {  	p0 =	sne.s32 s18, $0x9FC1  }
0xdd: {  	s19 =	sadd.s32 $0x10, s19  }
.Ltmp7:
0xde: {  	s20 =	sand.u32 $0x3FF0, s19;
	(pc) =	sbr.rel @p0 .LBB2_14-.Ltmp7, $3  }
0xdf: {  	[tilespmem:s20+$0xC800] =	vst v7  }
0xe0: {  	v7 =	vld.idx.msk [tilespmem:v8+s17+$0x0], $0xffff;
	_ =	sdelay $0x1  }
0xe1: {  	v8 =	vor.u32 s18, v6;
	s18 =	sadd.s32 $0x40, s18  }
0xe2: {  	_ = 	snop  }
0xe3: {  	s18 =	sadd.s32 $0x10, s19  }
0xe4: {  	s19 =	sand.u32 $0x3FF0, s18  }
0xe5: {  	s17 =	simm.s32 $0x0;
	[tilespmem:s19+$0xC800] =	vst v7  }
0xe6: {  	s29 =	simm.s32 $0x2;
	v7 =	vld.idx.msk [tilespmem:v8+s17+$0x0], $0xffff  }
0xe7: {  	v8 =	vor.u32 s29, v6;
	_ =	sdelay $0x1  }
0xe8: {  	s18 =	sadd.s32 $0x10, s18  }
0xe9: {  	s18 =	sand.u32 $0x3FF0, s18  }
0xea: {  	[tilespmem:s18+$0xC800] =	vst v7  }
0xeb: {  	s30 =	simm.s32 $0x42;
	v7 =	vld.idx.msk [tilespmem:v8+s17+$0x0], $0xffff  }
0xec: {  	v8 =	vor.u32 s30, v6;
	_ =	sdelay $0x2  }
0xed: {  	s18 =	sand.u32 $0x3FF0, s17  }
0xee: {  	[tilespmem:s18+$0xF000] =	vst v7  }
0xef: {  	s31 =	simm.s32 $0x82;
	v7 =	vld.idx.msk [tilespmem:v8+s17+$0x0], $0xffff  }
0xf0: {  	s20 =	simm.s32 $0xC2;
	s19 =	simm.s32 $0x0;
	v8 =	vor.u32 s31, v6  }
.LBB2_16:
0xf1: {  	p0 =	sne.s32 s20, $0x9FC2  }
0xf2: {  	s19 =	sadd.s32 $0x10, s19  }
.Ltmp8:
0xf3: {  	s21 =	sand.u32 $0x3FF0, s19;
	(pc) =	sbr.rel @p0 .LBB2_16-.Ltmp8, $3  }
0xf4: {  	[tilespmem:s21+$0xF000] =	vst v7  }
0xf5: {  	v7 =	vld.idx.msk [tilespmem:v8+s17+$0x0], $0xffff;
	_ =	sdelay $0x1  }
0xf6: {  	v8 =	vor.u32 s20, v6;
	s20 =	sadd.s32 $0x40, s20  }
0xf7: {  	_ = 	snop  }
0xf8: {  	s19 =	sadd.s32 $0x10, s19  }
0xf9: {  	s20 =	sand.u32 $0x3FF0, s19  }
0xfa: {  	[tilespmem:s20+$0xF000] =	vst v7  }
0xfb: {  	s29 =	simm.s32 $0x3;
	v7 =	vld.idx.msk [tilespmem:v8+s17+$0x0], $0xffff  }
0xfc: {  	v8 =	vor.u32 s29, v6;
	_ =	sdelay $0x1  }
0xfd: {  	s19 =	sadd.s32 $0x10, s19  }
0xfe: {  	s19 =	sand.u32 $0x3FF0, s19  }
0xff: {  	[tilespmem:s19+$0xF000] =	vst v7  }
0x100: {  	s30 =	simm.s32 $0x43;
	v7 =	vld.idx.msk [tilespmem:v8+s3+$0x0], $0xffff  }
0x101: {  	v8 =	vor.u32 s30, v6;
	_ =	sdelay $0x3  }
0x102: {  	[tilespmem:s18+$0x11800] =	vst v7  }
0x103: {  	s31 =	simm.s32 $0x83;
	v7 =	vld.idx.msk [tilespmem:v8+s3+$0x0], $0xffff  }
0x104: {  	s18 =	simm.s32 $0xC3;
	v8 =	vor.u32 s31, v6  }
.LBB2_18:
0x105: {  	p0 =	sne.s32 s18, $0x9FC3  }
0x106: {  	s17 =	sadd.s32 $0x10, s17  }
.Ltmp9:
0x107: {  	s19 =	sand.u32 $0x3FF0, s17;
	(pc) =	sbr.rel @p0 .LBB2_18-.Ltmp9, $3  }
0x108: {  	[tilespmem:s19+$0x11800] =	vst v7  }
0x109: {  	v7 =	vld.idx.msk [tilespmem:v8+s3+$0x0], $0xffff;
	_ =	sdelay $0x1  }
0x10a: {  	v8 =	vor.u32 s18, v6;
	s18 =	sadd.s32 $0x40, s18  }
0x10b: {  	_ = 	snop  }
0x10c: {  	s17 =	sadd.s32 $0x10, s17  }
0x10d: {  	s18 =	sand.u32 $0x3FF0, s17  }
0x10e: {  	[tilespmem:s18+$0x11800] =	vst v7  }
0x10f: {  	v7 =	vld.idx.msk [tilespmem:v8+s3+$0x0], $0xffff;
	_ =	sdelay $0x2  }
0x110: {  	s16 =	sadd.s32 $0x1, s16;
	s17 =	sadd.s32 $0x10, s17  }
0x111: {  	p0 =	sne.s32 s16, s7;
	s17 =	sand.u32 $0x3FF0, s17  }
.Ltmp10:
0x112: {  	[tilespmem:s17+$0x11800] =	vst v7;
	(pc) =	sbr.rel @p0 .LBB2_1-.Ltmp10, $4  }
0x113: {  	[hbm4b:s6+s3] =	stream.linear.scatter [tilespmem:s14], [sflag:$0x3], $0xA000, $0x38;
	[tilespmem:$0x1C000] =	vst v63  }
0x114: {  	_ =	swait.ge [sflag:s8], $0xA000  }
0x115: {  	[sflag:s8] =	ssyncset.done $0x0  }
0x116: {  	[sflag:s8] =	ssyncadd.s32 $0xFFFF6000  }
0x117: {  	_ =	sfence.sel $0x180000  }
0x118: {  	[bflag:$0x0] =	sbarrier.arrive $0xFFFF  }
0x119: {  	p0 =	sne.s32 s0, $0x0;
	_ =	strace $0x9000004A  }
0x11a: {  	s0 =	sadd.s32 @!p0 $0x100000, s1;
	[bflag:$0x2] =	sbarrier.arrive $0xFFFF  }
0x11b: {  	[sflag:s0] =	ssyncadd.tile.s32 @!p0 $0x1;
	_ =	shalt  }
.Lfunc_end2:
_tile_overlayer_lowered:
.L_overlay_start_2:
0x11c: {  	(tag) =	ssettag $0x2  }
0x11d: {  	s0 =	rddreg [dreg:$0x0];
	s2 =	stileid.u32  }
0x11e: {  	s1 =	rddreg [dreg:$0x1];
	p0 =	sne.s32 s2, $0x0  }
0x11f: {  	s3 =	rddreg [dreg:$0x2];
	[bflag:$0x3] =	sbarrier.arrive $0xFFFF;
	s2 =	simm.s32 @!p0 $0x1C03  }
0x120: {  	[timem:s3], [sflag:s2] =	dma.local @!p0 [hbm:s0], s1  }
0x121: {  	s0 =	simm.s32 @!p0 $0x3  }
0x122: {  	_ =	swait.ge @!p0 [sflag:s0], s1  }
0x123: {  	s1 =	ssub.s32 @!p0 $0x0, s1;
	[sflag:s0] =	ssyncset.done @!p0 $0x0  }
0x124: {  	[sflag:s0] =	ssyncadd.s32 @!p0 s1  }
0x125: {  	[bflag:$0x3] =	sbarrier.arrive $0xFFFF  }
0x126: {  	_ =	shalt  }

// kernel: kernel.15.cloned.1.call-start
scs
__scs_entry_jumppad:
0x0: {  	(pc) =	sbr.rel $0x88, $3  }
0x1: {  	(tag) =	ssettag $0x0;
	lr =	simm.s32 $0x1  }
0x2: {  	[smem:$0x3F9B] =	sst lr;
	_ =	strace $0xD0000000  }
0x3: {  	_ = 	snop  }
0x4: {  	_ = 	snop  }
0x5: {  	_ = 	snop  }
0x6: {  	_ = 	snop  }
0x7: {  	_ = 	snop  }
__scs_overlays_trampoline_lowered:
0x8: {  	[smem:$0x3FAA] =	sst s0  }
0x9: {  	[smem:$0x3FAB] =	sst s1  }
0xa: {  	[smem:$0x3FAC] =	sst s2  }
0xb: {  	[smem:$0x3FAD] =	sst s3  }
0xc: {  	[smem:$0x3FAE] =	sst s4  }
0xd: {  	[smem:$0x3FAF] =	sst s5  }
0xe: {  	[smem:$0x3FB0] =	sst s6  }
0xf: {  	[smem:$0x3FB1] =	sst s7  }
0x10: {  	[smem:$0x3FB2] =	sst s8  }
0x11: {  	[smem:$0x3FB3] =	sst s9;
	s0 =	simm.s32 @!p0 $0x0  }
0x12: {  	s1 =	sld [smem:$0x3F99];
	s0 =	simm.s32 @p0 $0x1  }
0x13: {  	[smem:$0x3FB4] =	sst s0;
	s0 =	simm.s32 @!p1 $0x0  }
0x14: {  	s2 =	sld [smem:$0x3F98];
	s0 =	simm.s32 @p1 $0x1  }
0x15: {  	[smem:$0x3FB5] =	sst s0;
	s0 =	simm.s32 @!p2 $0x0  }
0x16: {  	s3 =	sld [smem:$0x3FDB];
	s0 =	simm.s32 @p2 $0x1  }
0x17: {  	s4 =	simm.s32 $0x1BF5;
	[smem:$0x3FB7] =	sst s0  }
0x18: {  	s0 =	sld [smem:$0x3F9A];
	_ =	swait.ge [sflag:s4], $0x0  }
0x19: {  	s7 =	sld [smem:$0x3F9B]  }
0x1a: {  	s8 =	sadd.s32 $0xFFFFE003, lr  }
0x1b: {  	s9 =	sadd.s32 $0xFFFFFEF7, lr;
	s5 =	simm.s32 $0xFFFFFFFF;
	p2 =	slt.u32 s8, $0xFFFFF086  }
0x1c: {  	p1 =	slt.u32 s9, $0xF7A;
	s5 =	simm.s32 @!p2 $0x0  }
0x1d: {  	s5 =	simm.s32 @p1 $0x1;
	p0 =	seq.s32 s7, s2  }
0x1e: {  	s7 =	smul.u32 @!p0 $0xF7A, s2;
	p2 =	seq.s32 @!p0 s5, $0x0  }
0x1f: {  	s9 =	smul.u32 $0xF7A, s1;
	s8 =	simm.s32 @!p0 $0x1BF5;
	p2 =	por !p2, p0  }
0x20: {  	[sflag:s8] =	ssyncset.s32 @!p0 $0xFFFFF086;
	s6 =	sadd.s32 @!p0 s3, s7;
	s7 =	simm.s32 @!p0 $0x108  }
0x21: {  	s3 =	sadd.s32 s3, s9;
	s6 =	sadd.s32 @!p0 $0x88, s6;
	s7 =	simm.s32 @p2 $0x1082  }
0x22: {  	[simem:s7], [sflag:s8] =	dma.local @!p0 [hbm:s6], $0xF7A  }
0x23: {  	s9 =	sor.u32 $0xD0000000, s2;
	s6 =	simm.s32 $0x108;
	_ =	swait.ge @!p0 [sflag:s8], $0x0  }
0x24: {  	s3 =	sadd.s32 $0x88, s3;
	s6 =	simm.s32 @!p1 $0x1082;
	[sflag:s4] =	ssyncset.s32 $0xFFFFF086  }
0x25: {  	[simem:s6], [sflag:s4] =	dma.local [hbm:s3], $0xF7A  }
0x26: {  	[smem:$0x3F9B] =	sst s1;
	(tag) =	ssettag s2;
	_ =	strace s9  }
0x27: {  	s1 =	sld [smem:$0x3FAB]  }
0x28: {  	s2 =	sld [smem:$0x3FAC]  }
0x29: {  	s4 =	sld [smem:$0x3FAE]  }
0x2a: {  	p0 =	seq.s32 s5, $0x0;
	s5 =	sld [smem:$0x3FAF]  }
0x2b: {  	s6 =	sld [smem:$0x3FB0]  }
0x2c: {  	s7 =	sld [smem:$0x3FB1]  }
0x2d: {  	s3 =	simm.s32 $0x108;
	s8 =	sld [smem:$0x3FB2]  }
0x2e: {  	s3 =	simm.s32 @!p0 $0x1082;
	s9 =	sld [smem:$0x3FB3]  }
0x2f: {  	lr =	sadd.s32 s0, s3;
	s0 =	sld [smem:$0x3FAA]  }
0x30: {  	s3 =	sld [smem:$0x3FAD]  }
0x31: {  	[smem:$0x3FB6] =	sst s10  }
0x32: {  	s10 =	sld [smem:$0x3FB4];
	_ =	sdelay $0x3  }
0x33: {  	p0 =	seq.s32 s10, $0x1;
	s10 =	sld [smem:$0x3FB6];
	_ =	sdelay $0x3  }
0x34: {  	[smem:$0x3FB6] =	sst s10  }
0x35: {  	s10 =	sld [smem:$0x3FB5];
	_ =	sdelay $0x3  }
0x36: {  	p1 =	seq.s32 s10, $0x1;
	s10 =	sld [smem:$0x3FB6];
	_ =	sdelay $0x3  }
0x37: {  	[smem:$0x3FB6] =	sst s10  }
0x38: {  	s10 =	sld [smem:$0x3FB7]  }
0x39: {  	_ = 	snop;
	(pc) =	sbr.ind lr, $3  }
0x3a: {  	_ = 	snop  }
0x3b: {  	_ = 	snop  }
0x3c: {  	p2 =	seq.s32 s10, $0x1;
	s10 =	sld [smem:$0x3FB6]  }
0x3d: {  	_ =	shalt  }
0x3e: {  	_ =	shalt  }
0x3f: {  	_ =	shalt  }
0x40: {  	_ =	shalt  }
0x41: {  	_ =	shalt  }
0x42: {  	_ =	shalt  }
0x43: {  	_ =	shalt  }
0x44: {  	_ =	shalt  }
0x45: {  	_ =	shalt  }
0x46: {  	_ =	shalt  }
0x47: {  	_ =	shalt  }
0x48: {  	_ =	shalt  }
0x49: {  	_ =	shalt  }
0x4a: {  	_ =	shalt  }
0x4b: {  	_ =	shalt  }
0x4c: {  	_ =	shalt  }
0x4d: {  	_ =	shalt  }
0x4e: {  	_ =	shalt  }
0x4f: {  	_ =	shalt  }
0x50: {  	_ =	shalt  }
0x51: {  	_ =	shalt  }
0x52: {  	_ =	shalt  }
0x53: {  	_ =	shalt  }
0x54: {  	_ =	shalt  }
0x55: {  	_ =	shalt  }
0x56: {  	_ =	shalt  }
0x57: {  	_ =	shalt  }
0x58: {  	_ =	shalt  }
0x59: {  	_ =	shalt  }
0x5a: {  	_ =	shalt  }
0x5b: {  	_ =	shalt  }
0x5c: {  	_ =	shalt  }
0x5d: {  	_ =	shalt  }
0x5e: {  	_ =	shalt  }
0x5f: {  	_ =	shalt  }
0x60: {  	_ =	shalt  }
0x61: {  	_ =	shalt  }
0x62: {  	_ =	shalt  }
0x63: {  	_ =	shalt  }
0x64: {  	_ =	shalt  }
0x65: {  	_ =	shalt  }
0x66: {  	_ =	shalt  }
0x67: {  	_ =	shalt  }
0x68: {  	_ =	shalt  }
0x69: {  	_ =	shalt  }
0x6a: {  	_ =	shalt  }
0x6b: {  	_ =	shalt  }
0x6c: {  	_ =	shalt  }
0x6d: {  	_ =	shalt  }
0x6e: {  	_ =	shalt  }
0x6f: {  	_ =	shalt  }
0x70: {  	_ =	shalt  }
0x71: {  	_ =	shalt  }
0x72: {  	_ =	shalt  }
0x73: {  	_ =	shalt  }
0x74: {  	_ =	shalt  }
0x75: {  	_ =	shalt  }
0x76: {  	_ =	shalt  }
0x77: {  	_ =	shalt  }
0x78: {  	_ =	shalt  }
0x79: {  	_ =	shalt  }
0x7a: {  	_ =	shalt  }
0x7b: {  	_ =	shalt  }
0x7c: {  	_ =	shalt  }
0x7d: {  	_ =	shalt  }
0x7e: {  	_ =	shalt  }
0x7f: {  	_ =	shalt  }
0x80: {  	_ =	shalt  }
0x81: {  	_ =	shalt  }
0x82: {  	_ =	shalt  }
0x83: {  	_ =	shalt  }
0x84: {  	_ =	shalt  }
0x85: {  	_ =	shalt  }
0x86: {  	_ =	shalt  }
0x87: {  	_ =	shalt  }
.Lfunc_end0:
.L_simem_size_0:
called_computation.2_lowered:
.L_overlay_start_0:
0x88: {  	s2 =	sld [smem:$0x3FD9]  }
0x89: {  	s3 =	sld [smem:$0x3FFE];
	_ =	sdelay $0x1  }
0x8a: {  	s1 =	srdreg.scid  }
0x8b: {  	s0 =	sand.u32 $0x1, s1  }
0x8c: {  	s17 =	sshll.u32 s0, $0xA;
	s2 =	sadd.s32 s3, s2  }
0x8d: {  	s2 =	sadd.s32 s2, s17  }
0x8e: {  	[smem:$0x3FC2] =	sst s2  }
0x8f: {  	_ = 	snop  }
0x90: {  	s2 =	sld [smem:$0x3FD0];
	(tm) =	ssettm $0x1  }
0x91: {  	s18 =	sld [smem:$0x3FFB];
	_ =	sdelay $0x3  }
0x92: {  	_ =	strace s18  }
0x93: {  	s3 =	sld [smem:$0x3FFC];
	_ =	sdelay $0x3  }
0x94: {  	_ =	strace s3  }
0x95: {  	s3 =	sld [smem:$0x3FFD];
	_ =	sdelay $0x3  }
0x96: {  	_ =	strace s3  }
0x97: {  	_ =	strace $0x8FFFFFFF  }
0x98: {  	s19 =	sld [smem:$0x3FDB];
	_ =	sdelay $0x1  }
0x99: {  	s4 =	simm.s32 $_scs_section_size  }
0x9a: {  	s5 =	simm.s32 $_size__tile_overlayer_lowered;
	s6 =	simm.s32 $_tile_overlayer_lowered  }
0x9b: {  	s22 =	simm.s32 $0x1BFF;
	s21 =	sshll.u32 s6, $0x1;
	s3 =	sadd.s32 s4, s19  }
0x9c: {  	s7 =	simm.s32 $0x0;
	s20 =	sshll.u32 s5, $0x1;
	s5 =	sadd.s32 s21, s3  }
0x9d: {  	[timem:s7], [sflag:s22] =	dma.local [hbm:s5], s20  }
0x9e: {  	_ =	swait.ge [sflag:s22], s20  }
0x9f: {  	s4 =	ssub.s32 $0x0, s20;
	[sflag:s22] =	ssyncset.done $0x0  }
0xa0: {  	[sflag:s22] =	ssyncadd.s32 s4;
	_ =	sdelay $0x1  }
0xa1: {  	s23 =	simm.s32 $0x1B8B  }
0xa2: {  	_ =	swait.ge [sflag:s23], $0x1  }
0xa3: {  	[sflag:s23] =	ssyncset.done $0x0  }
0xa4: {  	s25 =	simm.s32 $0x1B8E;
	s24 =	sld [smem:$0x3FFE];
	[sflag:s23] =	ssyncadd.s32 $0xFFFFFFFF  }
0xa5: {  	s26 =	simm.s32 $execute0_lowered;
	[smem:$0x3FD2] =	sst s25  }
0xa6: {  	s5 =	sshll.u32 s26, $0x1;
	_ =	strace $0x8000004C;
	[dreg:$0x1] =	wrdreg $0xFFFFFFFF  }
0xa7: {  	s28 =	simm.s32 $_size_execute0_lowered;
	s3 =	sadd.s32 s3, s5;
	[dreg:$0x0] =	wrdreg $0x0  }
0xa8: {  	s5 =	sshll.u32 s28, $0x1;
	[dreg:$0x2] =	wrdreg s3  }
0xa9: {  	[dreg:$0x3] =	wrdreg s5  }
0xaa: {  	[dreg:$0x4] =	wrdreg $0xC0  }
0xab: {  	_ =	task [dreg:s7], $0x5FFFF  }
0xac: {  	[dreg:$0x1] =	wrdreg $0xFFFFFFFF  }
0xad: {  	[dreg:$0x0] =	wrdreg $0x60  }
0xae: {  	[dreg:$0x2] =	wrdreg s24  }
0xaf: {  	[dreg:$0x3] =	wrdreg s2  }
0xb0: {  	[dreg:$0x4] =	wrdreg $0x9  }
0xb1: {  	_ =	task.clear_ibuf [dreg:s7], $0x5FFFF;
	_ =	strace $0x9000004C  }
0xb2: {  	s29 =	simm.s32 $0x9;
	_ =	strace $0x8000004E  }
0xb3: {  	_ =	swait.ge [sflag:s29], $0x1  }
0xb4: {  	[sflag:s29] =	ssyncadd.s32 $0xFFFFFFFF  }
0xb5: {  	_ =	strace $0x9000004E  }
0xb6: {  	_ =	sfence  }
0xb7: {  	s30 =	sld [smem:$0x0];
	_ =	sdelay $0x2  }
0xb8: {  	s31 =	sshll.u32 s1, $0xD;
	s1 =	sshrl.u32 s1, $0x2  }
0xb9: {  	s3 =	sand.u32 $0x4000, s31;
	s1 =	sadd.s32 s1, s30  }
0xba: {  	s0 =	sor.u32 s3, s0;
	s1 =	sshll.u32 s1, $0x11  }
0xbb: {  	s0 =	sor.u32 s1, s0  }
0xbc: {  	s0 =	sadd.s32 $0x8F2B, s0  }
0xbd: {  	[sflag:s0] =	ssyncadd.remote.s32 $0x1  }
0xbe: {  	_ =	sfence.sel $0xFFFF  }
0xbf: {  	[dreg:$0x0] =	wrdreg $0xFFFFFFFF;
	(pc) =	sbr.abs _section_cstart, $3  }
0xc0: {  	[dreg:$0x1] =	wrdreg $0xFFFFFFFF  }
0xc1: {  	_ =	task.clear_ibuf [dreg:s7], $0x2FFFF;
	_ =	strace $0x9FFFFFFF  }
0xc2: {  	(tm) =	ssettm $0x7FFFFFFF  }
0xc3: {  	_ =	shalt  }
tec
execute0_lowered:
.L_overlay_start_1:
0x0: {  	(tag) =	ssettag $0x1  }
0x1: {  	v0 =	vimm.s32 $0x7803;
	vm0 =	vcmask $0x300  }
0x2: {  	vm14 =	vcmask $0x704;
	v0 =	vsel vm0, $0x0, v0  }
0x3: {  	vm15 =	vcmask $0xB08;
	v0 =	vsel vm14, $0x2800, v0  }
0x4: {  	vm4 =	vcmask $0xF0C;
	v0 =	vsel vm15, $0x5000, v0  }
0x5: {  	vm5 =	vcmask $0x1310;
	v0 =	vsel vm4, $0x7800, v0  }
0x6: {  	vm6 =	vcmask $0x1714;
	v0 =	vsel vm5, $0x1, v0  }
0x7: {  	vm7 =	vcmask $0x1B18;
	s5 =	rddreg [dreg:$0x0];
	v0 =	vsel vm6, $0x2801, v0  }
0x8: {  	vm8 =	vcmask $0x1F1C;
	s2 =	rddreg [dreg:$0x1];
	v0 =	vsel vm7, $0x5001, v0  }
0x9: {  	s0 =	srdreg.scid;
	vm9 =	vcmask $0x2320;
	s1 =	rddreg [dreg:$0x2];
	s3 =	simm.s32 $0x0;
	v0 =	vsel vm8, $0x7801, v0  }
0xa: {  	vm10 =	vcmask $0x2724;
	s9 =	simm.s32 $0x14000;
	s10 =	simm.s32 $0x16000;
	s11 =	simm.s32 $0x1;
	v0 =	vsel vm9, $0x2, v0  }
0xb: {  	vm11 =	vcmask $0x2B28;
	s12 =	simm.s32 $0x18000;
	s13 =	simm.s32 $0x1A000;
	s4 =	sand.u32 $0x1, s0;
	v0 =	vsel vm10, $0x2802, v0  }
0xc: {  	vm12 =	vcmask $0x2F2C;
	s14 =	simm.s32 $0xA000;
	s0 =	stileid.u32;
	s6 =	sshll.u32 s4, $0x4;
	v0 =	vsel vm11, $0x5002, v0  }
0xd: {  	vm13 =	vcmask $0x3330;
	s15 =	simm.s32 $0x2;
	s16 =	simm.s32 $0x0;
	s6 =	sor.u32 s0, s6;
	v0 =	vsel vm12, $0x7802, v0  }
0xe: {  	v6 =	vlaneseq.u32;
	[smem:$0x7FF] =	sst s3;
	s7 =	ssub.s32 $0x2, s4;
	vm14 =	vcmask $0x3734;
	s6 =	smul.u32 $0x1400, s6;
	v0 =	vsel vm13, $0x3, v0  }
0xf: {  	v2 =	vand.u32 $0x3, v6;
	_ =	strace $0x8000004D;
	s4 =	sadd.s32 $0x2800, s5;
	s8 =	sshrl.u32 s7, $0x1;
	vm15 =	vcmask $0x3B38;
	v1 =	vsel vm14, $0x2803, v0  }
0x10: {  	s7 =	ssub.s32 s7, s8;
	s8 =	simm.s32 $0x3;
	s6 =	sadd.s32 s6, s5;
	v0 =	vshrl.u32 v6, $0x2;
	v6 =	vmul.u32 $0x4, v6;
	v1 =	vsel vm15, $0x5003, v1  }
0x11: {  	s7 =	smax.u32 s7, $0x1;
	s5 =	sadd.s32 $0xC800, s6;
	s6 =	sadd.s32 $0x34800, s6;
	v3 =	vor.u32 $0x4, v0;
	v4 =	vor.u32 $0x8, v0;
	v5 =	vor.u32 $0xC, v0  }
.LBB2_1:
0x12: {  	v7 =	vadd.s32 s3, v1  }
0x13: {  	[tilespmem:s3], [sflag:$0x3] =	stream.linear.gather [hbm4b:s5+s3], $0xA000, $0x38;
	[tilespmem:$0x1C000] =	vst v63  }
0x14: {  	_ =	swait.ge [sflag:s8], $0xA000  }
0x15: {  	[sflag:s8] =	ssyncset.done $0x0  }
0x16: {  	[sflag:s8] =	ssyncadd.s32 $0xFFFF6000  }
0x17: {  	s17 =	simm.s32 $0x4;
	v7 =	vld.idx.msk [tilespmem:v7+s3+$0x0], $0xffff  }
0x18: {  	v8 =	vadd.s32 s17, v1;
	_ =	sdelay $0x3  }
0x19: {  	[tilespmem:s14+$0x0] =	vst v7  }
0x1a: {  	s31 =	simm.s32 $0x8;
	v7 =	vld.idx.msk [tilespmem:v8+s3+$0x0], $0xffff  }
0x1b: {  	s18 =	simm.s32 $0xC;
	s17 =	simm.s32 $0xA000;
	v8 =	vadd.s32 s31, v1  }
.LBB2_2:
0x1c: {  	p0 =	sne.s32 s18, $0x27FC;
	_ =	sdelay $0x1  }
.Ltmp0:
0x1d: {  	s17 =	sadd.s32 $0x10, s17;
	(pc) =	sbr.rel @p0 .LBB2_2-.Ltmp0, $3  }
0x1e: {  	s19 =	simm.s32 $0x0;
	[tilespmem:s17+$0x0] =	vst v7  }
0x1f: {  	v7 =	vld.idx.msk [tilespmem:v8+s19+$0x0], $0xffff;
	_ =	sdelay $0x1  }
0x20: {  	v8 =	vadd.s32 s18, v1;
	s18 =	sadd.s32 $0x4, s18  }
0x21: {  	_ =	sdelay $0x1  }
0x22: {  	s17 =	sadd.s32 $0x10, s17  }
0x23: {  	[tilespmem:s17+$0x0] =	vst v7  }
0x24: {  	v7 =	vld.idx.msk [tilespmem:v8+s19+$0x0], $0xffff  }
0x25: {  	p0 =	por $0x1, $0x1  }
.Ltmp1:
0x26: {  	_ = 	snop;
	(pc) =	sbr.rel @!p0 .LBB2_5-.Ltmp1, $4  }
0x27: {  	_ = 	snop  }
0x28: {  	s17 =	sadd.s32 $0x10, s17  }
0x29: {  	[tilespmem:s17+$0x0] =	vst v7;
	s17 =	simm.s32 $0x0  }
0x2a: {  	s18 =	simm.s32 $0x40;
	v7 =	vld [tilespmem:s17+$0xA000]  }
.LBB2_4:
0x2b: {  	p0 =	sne.s32 s18, $0x27FC0  }
.Ltmp2:
0x2c: {  	_ = 	snop;
	(pc) =	sbr.rel @p0 .LBB2_4-.Ltmp2, $3  }
0x2d: {  	_ =	sdelay $0x1  }
0x2e: {  	[tilespmem:s17+$0x0] =	vst v7;
	s17 =	sshra.s32 s18, $0x2;
	s18 =	sadd.s32 $0x40, s18  }
0x2f: {  	v7 =	vld [tilespmem:s17+$0xA000]  }
.LBB2_5:
0x30: {  	_ =	sdelay $0x3  }
0x31: {  	[tilespmem:s17+$0x0] =	vst v7;
	s17 =	simm.s32 $0x0  }
0x32: {  	[tilespmem:s9], [sflag:$0x1] =	stream.linear.gather [hbm4b:s2+s17], $0x2000, $0x38;
	[tilespmem:$0x1C000] =	vst v63  }
0x33: {  	s18 =	simm.s32 $0x0  }
0x34: {  	[tilespmem:s10], [sflag:$0x1] =	stream.linear.gather [hbm4b:s4+s17], $0x2000, $0x38;
	[tilespmem:$0x1C000] =	vst v63  }
.LBB2_6:
0x35: {  	_ =	swait.ge [sflag:s11], $0x2000  }
0x36: {  	[sflag:s11] =	ssyncset.done $0x0  }
0x37: {  	[sflag:s11] =	ssyncadd.s32 $0xFFFFE000  }
0x38: {  	s19 =	sshll.u32 s18, $0xB;
	_ =	swait.ge [sflag:s11], $0x2000  }
0x39: {  	s20 =	sor.u32 $0x400, s19;
	[sflag:s11] =	ssyncset.done $0x0  }
0x3a: {  	s21 =	sadd.s32 s2, s20;
	[sflag:s11] =	ssyncadd.s32 $0xFFFFE000  }
0x3b: {  	[tilespmem:s12], [sflag:$0x2] =	stream.linear.gather [hbm4b:s21+s17], $0x2000, $0x38;
	[tilespmem:$0x1C000] =	vst v63  }
0x3c: {  	s31 =	simm.s32 $0x0;
	s20 =	sadd.s32 s4, s20  }
0x3d: {  	[tilespmem:s13], [sflag:$0x2] =	stream.linear.gather [hbm4b:s20+s17], $0x2000, $0x38;
	[tilespmem:$0x1C000] =	vst v63  }
0x3e: {  	v7 =	vld [tilespmem:s31+$0x14000];
	_ =	sdelay $0x4  }
0x3f: {  	v9 =	vld [tilespmem:s31+$0x16000];
	v8 =	vperm.xlane v7, v0;
	_ =	sdelay $0x1  }
0x40: {  	v8 =	vor.u32 v2, v8;
	_ =	sdelay $0x2  }
0x41: {  	v10 =	vperm.xlane v9, v0  }
0x42: {  	v11 =	vperm.xlane v7, v3  }
0x43: {  	v10 =	vor.u32 v2, v10;
	v8 =	vld.idx.msk [tilespmem:v8+s14+$0x0], $0xffff  }
0x44: {  	v11 =	vor.u32 v2, v11;
	_ =	sdelay $0x2  }
0x45: {  	v12 =	vperm.xlane v9, v3  }
0x46: {  	v13 =	vperm.xlane v7, v4;
	[tilespmem:v10+s3+$0x0] =	vst.idx.add.f32.msk $0xffff, v8  }
0x47: {  	v10 =	vor.u32 v2, v12;
	v8 =	vld.idx.msk [tilespmem:v11+s14+$0x0], $0xffff  }
0x48: {  	v11 =	vor.u32 v2, v13;
	_ =	sdelay $0x2  }
0x49: {  	v63 =	vperm.xlane v9, v4  }
0x4a: {  	v7 =	vperm.xlane v7, v5;
	[tilespmem:v10+s3+$0x0] =	vst.idx.add.f32.msk $0xffff, v8  }
0x4b: {  	v10 =	vor.u32 v2, v63;
	v8 =	vld.idx.msk [tilespmem:v11+s14+$0x0], $0xffff  }
0x4c: {  	v7 =	vor.u32 v2, v7;
	_ =	sdelay $0x2  }
0x4d: {  	v9 =	vperm.xlane v9, v5  }
0x4e: {  	[tilespmem:v10+s3+$0x0] =	vst.idx.add.f32.msk $0xffff, v8  }
0x4f: {  	s21 =	simm.s32 $0x80;
	s20 =	simm.s32 $0x40;
	v8 =	vor.u32 v2, v9;
	v7 =	vld.idx.msk [tilespmem:v7+s14+$0x0], $0xffff  }
.LBB2_7:
0x50: {  	_ =	sdelay $0x2  }
0x51: {  	p0 =	sne.s32 s21, $0x7FC0  }
0x52: {  	s22 =	sshra.s32 s20, $0x2;
	s20 =	smov.u32 s21;
	s21 =	sadd.s32 $0x40, s21;
	[tilespmem:v8+s3+$0x0] =	vst.idx.add.f32.msk $0xffff, v7  }
0x53: {  	v7 =	vld [tilespmem:s22+$0x14000];
	_ =	sdelay $0x4  }
0x54: {  	v8 =	vperm.xlane v7, v0;
	v9 =	vperm.xlane v7, v3  }
0x55: {  	v11 =	vperm.xlane v7, v4;
	v7 =	vperm.xlane v7, v5;
	v10 =	vld [tilespmem:s22+$0x16000]  }
0x56: {  	v8 =	vor.u32 v2, v8;
	_ =	sdelay $0x3  }
0x57: {  	v12 =	vperm.xlane v10, v0;
	v13 =	vperm.xlane v10, v3  }
0x58: {  	v14 =	vperm.xlane v10, v4;
	v10 =	vperm.xlane v10, v5;
	v8 =	vld.idx.msk [tilespmem:v8+s14+$0x0], $0xffff  }
0x59: {  	v12 =	vor.u32 v2, v12  }
0x5a: {  	v9 =	vor.u32 v2, v9;
	_ =	sdelay $0x3  }
0x5b: {  	[tilespmem:v12+s3+$0x0] =	vst.idx.add.f32.msk $0xffff, v8  }
0x5c: {  	v8 =	vld.idx.msk [tilespmem:v9+s14+$0x0], $0xffff  }
0x5d: {  	v9 =	vor.u32 v2, v13  }
0x5e: {  	v11 =	vor.u32 v2, v11;
	_ =	sdelay $0x3  }
0x5f: {  	[tilespmem:v9+s3+$0x0] =	vst.idx.add.f32.msk $0xffff, v8  }
0x60: {  	v8 =	vld.idx.msk [tilespmem:v11+s14+$0x0], $0xffff  }
0x61: {  	v9 =	vor.u32 v2, v14  }
0x62: {  	v7 =	vor.u32 v2, v7;
	_ =	sdelay $0x1  }
.Ltmp3:
0x63: {  	(pc) =	sbr.rel @p0 .LBB2_7-.Ltmp3, $4  }
0x64: {  	_ = 	snop  }
0x65: {  	[tilespmem:v9+s3+$0x0] =	vst.idx.add.f32.msk $0xffff, v8  }
0x66: {  	v7 =	vld.idx.msk [tilespmem:v7+s14+$0x0], $0xffff  }
0x67: {  	v8 =	vor.u32 v2, v10  }
0x68: {  	_ =	sdelay $0x3  }
0x69: {  	s20 =	sshra.s32 s20, $0x2;
	[tilespmem:v8+s3+$0x0] =	vst.idx.add.f32.msk $0xffff, v7  }
0x6a: {  	v7 =	vld [tilespmem:s20+$0x14000];
	_ =	sdelay $0x4  }
0x6b: {  	v9 =	vld [tilespmem:s20+$0x16000];
	v8 =	vperm.xlane v7, v0;
	_ =	sdelay $0x1  }
0x6c: {  	v8 =	vor.u32 v2, v8;
	_ =	sdelay $0x2  }
0x6d: {  	v10 =	vperm.xlane v9, v0  }
0x6e: {  	v11 =	vperm.xlane v7, v3  }
0x6f: {  	v10 =	vor.u32 v2, v10;
	v8 =	vld.idx.msk [tilespmem:v8+s14+$0x0], $0xffff  }
0x70: {  	v11 =	vor.u32 v2, v11;
	_ =	sdelay $0x2  }
0x71: {  	v12 =	vperm.xlane v9, v3  }
0x72: {  	v13 =	vperm.xlane v7, v4;
	[tilespmem:v10+s3+$0x0] =	vst.idx.add.f32.msk $0xffff, v8  }
0x73: {  	v10 =	vor.u32 v2, v12;
	v8 =	vld.idx.msk [tilespmem:v11+s14+$0x0], $0xffff  }
0x74: {  	v11 =	vor.u32 v2, v13;
	_ =	sdelay $0x2  }
0x75: {  	v60 =	vperm.xlane v9, v4  }
0x76: {  	v7 =	vperm.xlane v7, v5;
	[tilespmem:v10+s3+$0x0] =	vst.idx.add.f32.msk $0xffff, v8  }
0x77: {  	v10 =	vor.u32 v2, v60;
	v8 =	vld.idx.msk [tilespmem:v11+s14+$0x0], $0xffff  }
0x78: {  	v7 =	vor.u32 v2, v7;
	_ =	sdelay $0x2  }
0x79: {  	v9 =	vperm.xlane v9, v5  }
0x7a: {  	[tilespmem:v10+s3+$0x0] =	vst.idx.add.f32.msk $0xffff, v8  }
0x7b: {  	v8 =	vor.u32 v2, v9;
	v7 =	vld.idx.msk [tilespmem:v7+s14+$0x0], $0xffff;
	_ =	sdelay $0x4  }
0x7c: {  	[tilespmem:v8+s3+$0x0] =	vst.idx.add.f32.msk $0xffff, v7  }
0x7d: {  	_ =	swait.ge [sflag:s15], $0x2000  }
0x7e: {  	[sflag:s15] =	ssyncset.done $0x0  }
0x7f: {  	[sflag:s15] =	ssyncadd.s32 $0xFFFFE000  }
0x80: {  	p0 =	seq.s32 s18, $0x13;
	_ =	swait.ge [sflag:s15], $0x2000  }
0x81: {  	s19 =	sadd.s32 @!p0 $0x800, s19;
	s21 =	simm.s32 @!p0 $0x0;
	[sflag:s15] =	ssyncset.done $0x0  }
0x82: {  	s22 =	simm.s32 @!p0 $0x14000;
	s20 =	sadd.s32 @!p0 s2, s19;
	[sflag:s15] =	ssyncadd.s32 $0xFFFFE000  }
0x83: {  	[tilespmem:s22], [sflag:$0x1] =	stream.linear.gather @!p0 [hbm4b:s20+s21], $0x2000, $0x38;
	[tilespmem:$0x1C000] =	vst v63  }
0x84: {  	s31 =	simm.s32 $0x0;
	s19 =	sadd.s32 @!p0 s4, s19;
	s20 =	simm.s32 @!p0 $0x16000  }
0x85: {  	[tilespmem:s20], [sflag:$0x1] =	stream.linear.gather @!p0 [hbm4b:s19+s21], $0x2000, $0x38;
	[tilespmem:$0x1C000] =	vst v63  }
0x86: {  	v7 =	vld [tilespmem:s31+$0x18000];
	_ =	sdelay $0x4  }
0x87: {  	v9 =	vld [tilespmem:s31+$0x1A000];
	v8 =	vperm.xlane v7, v0;
	_ =	sdelay $0x1  }
0x88: {  	v8 =	vor.u32 v2, v8;
	_ =	sdelay $0x2  }
0x89: {  	v10 =	vperm.xlane v9, v0  }
0x8a: {  	v11 =	vperm.xlane v7, v3  }
0x8b: {  	v10 =	vor.u32 v2, v10;
	v8 =	vld.idx.msk [tilespmem:v8+s14+$0x0], $0xffff  }
0x8c: {  	v11 =	vor.u32 v2, v11;
	_ =	sdelay $0x2  }
0x8d: {  	v61 =	vperm.xlane v9, v3  }
0x8e: {  	v62 =	vperm.xlane v7, v4;
	[tilespmem:v10+s3+$0x0] =	vst.idx.add.f32.msk $0xffff, v8  }
0x8f: {  	v10 =	vor.u32 v2, v61;
	v8 =	vld.idx.msk [tilespmem:v11+s14+$0x0], $0xffff  }
0x90: {  	v11 =	vor.u32 v2, v62;
	_ =	sdelay $0x2  }
0x91: {  	v63 =	vperm.xlane v9, v4  }
0x92: {  	v7 =	vperm.xlane v7, v5;
	[tilespmem:v10+s3+$0x0] =	vst.idx.add.f32.msk $0xffff, v8  }
0x93: {  	v10 =	vor.u32 v2, v63;
	v8 =	vld.idx.msk [tilespmem:v11+s14+$0x0], $0xffff  }
0x94: {  	v7 =	vor.u32 v2, v7;
	_ =	sdelay $0x2  }
0x95: {  	v9 =	vperm.xlane v9, v5  }
0x96: {  	[tilespmem:v10+s3+$0x0] =	vst.idx.add.f32.msk $0xffff, v8  }
0x97: {  	s19 =	simm.s32 $0x40;
	s20 =	simm.s32 $0x80;
	v8 =	vor.u32 v2, v9;
	v7 =	vld.idx.msk [tilespmem:v7+s14+$0x0], $0xffff  }
.LBB2_9:
0x98: {  	_ =	sdelay $0x2  }
0x99: {  	p0 =	sne.s32 s20, $0x7FC0  }
0x9a: {  	s21 =	sshra.s32 s19, $0x2;
	s19 =	smov.u32 s20;
	s20 =	sadd.s32 $0x40, s20;
	[tilespmem:v8+s3+$0x0] =	vst.idx.add.f32.msk $0xffff, v7  }
0x9b: {  	v7 =	vld [tilespmem:s21+$0x18000];
	_ =	sdelay $0x4  }
0x9c: {  	v8 =	vperm.xlane v7, v0;
	v9 =	vperm.xlane v7, v3  }
0x9d: {  	v11 =	vperm.xlane v7, v4;
	v7 =	vperm.xlane v7, v5;
	v10 =	vld [tilespmem:s21+$0x1A000]  }
0x9e: {  	v8 =	vor.u32 v2, v8;
	_ =	sdelay $0x3  }
0x9f: {  	v12 =	vperm.xlane v10, v0;
	v13 =	vperm.xlane v10, v3  }
0xa0: {  	v14 =	vperm.xlane v10, v4;
	v10 =	vperm.xlane v10, v5;
	v8 =	vld.idx.msk [tilespmem:v8+s14+$0x0], $0xffff  }
0xa1: {  	v12 =	vor.u32 v2, v12  }
0xa2: {  	v9 =	vor.u32 v2, v9;
	_ =	sdelay $0x3  }
0xa3: {  	[tilespmem:v12+s3+$0x0] =	vst.idx.add.f32.msk $0xffff, v8  }
0xa4: {  	v8 =	vld.idx.msk [tilespmem:v9+s14+$0x0], $0xffff  }
0xa5: {  	v9 =	vor.u32 v2, v13  }
0xa6: {  	v11 =	vor.u32 v2, v11;
	_ =	sdelay $0x3  }
0xa7: {  	[tilespmem:v9+s3+$0x0] =	vst.idx.add.f32.msk $0xffff, v8  }
0xa8: {  	v8 =	vld.idx.msk [tilespmem:v11+s14+$0x0], $0xffff  }
0xa9: {  	v9 =	vor.u32 v2, v14  }
0xaa: {  	v7 =	vor.u32 v2, v7;
	_ =	sdelay $0x1  }
.Ltmp4:
0xab: {  	(pc) =	sbr.rel @p0 .LBB2_9-.Ltmp4, $4  }
0xac: {  	_ = 	snop  }
0xad: {  	[tilespmem:v9+s3+$0x0] =	vst.idx.add.f32.msk $0xffff, v8  }
0xae: {  	v7 =	vld.idx.msk [tilespmem:v7+s14+$0x0], $0xffff  }
0xaf: {  	v8 =	vor.u32 v2, v10  }
0xb0: {  	_ =	sdelay $0x3  }
0xb1: {  	s19 =	sshra.s32 s19, $0x2;
	[tilespmem:v8+s3+$0x0] =	vst.idx.add.f32.msk $0xffff, v7  }
0xb2: {  	v7 =	vld [tilespmem:s19+$0x18000];
	_ =	sdelay $0x4  }
0xb3: {  	v9 =	vld [tilespmem:s19+$0x1A000];
	v8 =	vperm.xlane v7, v0;
	_ =	sdelay $0x1  }
0xb4: {  	v8 =	vor.u32 v2, v8;
	_ =	sdelay $0x2  }
0xb5: {  	v10 =	vperm.xlane v9, v0  }
0xb6: {  	v11 =	vperm.xlane v7, v3  }
0xb7: {  	v10 =	vor.u32 v2, v10;
	v8 =	vld.idx.msk [tilespmem:v8+s14+$0x0], $0xffff  }
0xb8: {  	v11 =	vor.u32 v2, v11;
	_ =	sdelay $0x2  }
0xb9: {  	v12 =	vperm.xlane v9, v3  }
0xba: {  	v13 =	vperm.xlane v7, v4;
	[tilespmem:v10+s3+$0x0] =	vst.idx.add.f32.msk $0xffff, v8  }
0xbb: {  	v60 =	vor.u32 v2, v12;
	v8 =	vld.idx.msk [tilespmem:v11+s14+$0x0], $0xffff  }
0xbc: {  	v61 =	vor.u32 v2, v13;
	_ =	sdelay $0x2  }
0xbd: {  	v62 =	vperm.xlane v9, v4  }
0xbe: {  	v7 =	vperm.xlane v7, v5;
	[tilespmem:v60+s3+$0x0] =	vst.idx.add.f32.msk $0xffff, v8  }
0xbf: {  	v63 =	vor.u32 v2, v62;
	v8 =	vld.idx.msk [tilespmem:v61+s14+$0x0], $0xffff  }
0xc0: {  	v7 =	vor.u32 v2, v7;
	_ =	sdelay $0x2  }
0xc1: {  	v9 =	vperm.xlane v9, v5  }
0xc2: {  	s18 =	sadd.s32 $0x1, s18;
	[tilespmem:v63+s3+$0x0] =	vst.idx.add.f32.msk $0xffff, v8  }
0xc3: {  	p0 =	sne.s32 s18, $0x14;
	v8 =	vor.u32 v2, v9;
	v7 =	vld.idx.msk [tilespmem:v7+s14+$0x0], $0xffff  }
.Ltmp5:
0xc4: {  	_ = 	snop;
	(pc) =	sbr.rel @p0 .LBB2_6-.Ltmp5, $2  }
0xc5: {  	_ =	sdelay $0x2  }
0xc6: {  	s19 =	simm.s32 $0x0;
	[tilespmem:v8+s3+$0x0] =	vst.idx.add.f32.msk $0xffff, v7  }
0xc7: {  	v7 =	vor.u32 s19, v6;
	_ =	sdelay $0x4  }
0xc8: {  	s17 =	simm.s32 $0x40;
	v7 =	vld.idx.msk [tilespmem:v7+s19+$0x0], $0xffff  }
0xc9: {  	s18 =	simm.s32 $0x80;
	s20 =	simm.s32 $0x0;
	v8 =	vor.u32 s17, v6  }
.LBB2_12:
0xca: {  	p0 =	sne.s32 s18, $0x9FC0;
	_ =	sdelay $0x1  }
.Ltmp6:
0xcb: {  	s21 =	sshra.s32 s20, $0x2;
	s20 =	smov.u32 s17;
	(pc) =	sbr.rel @p0 .LBB2_12-.Ltmp6, $3  }
0xcc: {  	s17 =	smov.u32 s18;
	[tilespmem:s21+$0xA000] =	vst v7  }
0xcd: {  	v7 =	vld.idx.msk [tilespmem:v8+s19+$0x0], $0xffff;
	_ =	sdelay $0x1  }
0xce: {  	s18 =	sadd.s32 $0x40, s18;
	v8 =	vor.u32 s17, v6  }
0xcf: {  	_ =	sdelay $0x1  }
0xd0: {  	s18 =	sshra.s32 s20, $0x2  }
0xd1: {  	[tilespmem:s18+$0xA000] =	vst v7  }
0xd2: {  	s28 =	simm.s32 $0x1;
	v7 =	vld.idx.msk [tilespmem:v8+s19+$0x0], $0xffff  }
0xd3: {  	v8 =	vor.u32 s28, v6;
	_ =	sdelay $0x2  }
0xd4: {  	s17 =	sshra.s32 s17, $0x2  }
0xd5: {  	[tilespmem:s17+$0xA000] =	vst v7;
	s17 =	simm.s32 $0x0  }
0xd6: {  	s29 =	simm.s32 $0x41;
	v7 =	vld.idx.msk [tilespmem:v8+s17+$0x0], $0xffff  }
0xd7: {  	v8 =	vor.u32 s29, v6;
	_ =	sdelay $0x2  }
0xd8: {  	s30 =	sand.u32 $0x3FF0, s19  }
0xd9: {  	[tilespmem:s30+$0xC800] =	vst v7  }
0xda: {  	s31 =	simm.s32 $0x81;
	v7 =	vld.idx.msk [tilespmem:v8+s17+$0x0], $0xffff  }
0xdb: {  	s18 =	simm.s32 $0xC1;
	v8 =	vor.u32 s31, v6  }
.LBB2_14:
0xdc: {  	p0 =	sne.s32 s18, $0x9FC1  }
0xdd: {  	s19 =	sadd.s32 $0x10, s19  }
.Ltmp7:
0xde: {  	s20 =	sand.u32 $0x3FF0, s19;
	(pc) =	sbr.rel @p0 .LBB2_14-.Ltmp7, $3  }
0xdf: {  	[tilespmem:s20+$0xC800] =	vst v7  }
0xe0: {  	v7 =	vld.idx.msk [tilespmem:v8+s17+$0x0], $0xffff;
	_ =	sdelay $0x1  }
0xe1: {  	v8 =	vor.u32 s18, v6;
	s18 =	sadd.s32 $0x40, s18  }
0xe2: {  	_ = 	snop  }
0xe3: {  	s18 =	sadd.s32 $0x10, s19  }
0xe4: {  	s19 =	sand.u32 $0x3FF0, s18  }
0xe5: {  	s17 =	simm.s32 $0x0;
	[tilespmem:s19+$0xC800] =	vst v7  }
0xe6: {  	s29 =	simm.s32 $0x2;
	v7 =	vld.idx.msk [tilespmem:v8+s17+$0x0], $0xffff  }
0xe7: {  	v8 =	vor.u32 s29, v6;
	_ =	sdelay $0x1  }
0xe8: {  	s18 =	sadd.s32 $0x10, s18  }
0xe9: {  	s18 =	sand.u32 $0x3FF0, s18  }
0xea: {  	[tilespmem:s18+$0xC800] =	vst v7  }
0xeb: {  	s30 =	simm.s32 $0x42;
	v7 =	vld.idx.msk [tilespmem:v8+s17+$0x0], $0xffff  }
0xec: {  	v8 =	vor.u32 s30, v6;
	_ =	sdelay $0x2  }
0xed: {  	s18 =	sand.u32 $0x3FF0, s17  }
0xee: {  	[tilespmem:s18+$0xF000] =	vst v7  }
0xef: {  	s31 =	simm.s32 $0x82;
	v7 =	vld.idx.msk [tilespmem:v8+s17+$0x0], $0xffff  }
0xf0: {  	s20 =	simm.s32 $0xC2;
	s19 =	simm.s32 $0x0;
	v8 =	vor.u32 s31, v6  }
.LBB2_16:
0xf1: {  	p0 =	sne.s32 s20, $0x9FC2  }
0xf2: {  	s19 =	sadd.s32 $0x10, s19  }
.Ltmp8:
0xf3: {  	s21 =	sand.u32 $0x3FF0, s19;
	(pc) =	sbr.rel @p0 .LBB2_16-.Ltmp8, $3  }
0xf4: {  	[tilespmem:s21+$0xF000] =	vst v7  }
0xf5: {  	v7 =	vld.idx.msk [tilespmem:v8+s17+$0x0], $0xffff;
	_ =	sdelay $0x1  }
0xf6: {  	v8 =	vor.u32 s20, v6;
	s20 =	sadd.s32 $0x40, s20  }
0xf7: {  	_ = 	snop  }
0xf8: {  	s19 =	sadd.s32 $0x10, s19  }
0xf9: {  	s20 =	sand.u32 $0x3FF0, s19  }
0xfa: {  	[tilespmem:s20+$0xF000] =	vst v7  }
0xfb: {  	s29 =	simm.s32 $0x3;
	v7 =	vld.idx.msk [tilespmem:v8+s17+$0x0], $0xffff  }
0xfc: {  	v8 =	vor.u32 s29, v6;
	_ =	sdelay $0x1  }
0xfd: {  	s19 =	sadd.s32 $0x10, s19  }
0xfe: {  	s19 =	sand.u32 $0x3FF0, s19  }
0xff: {  	[tilespmem:s19+$0xF000] =	vst v7  }
0x100: {  	s30 =	simm.s32 $0x43;
	v7 =	vld.idx.msk [tilespmem:v8+s3+$0x0], $0xffff  }
0x101: {  	v8 =	vor.u32 s30, v6;
	_ =	sdelay $0x3  }
0x102: {  	[tilespmem:s18+$0x11800] =	vst v7  }
0x103: {  	s31 =	simm.s32 $0x83;
	v7 =	vld.idx.msk [tilespmem:v8+s3+$0x0], $0xffff  }
0x104: {  	s18 =	simm.s32 $0xC3;
	v8 =	vor.u32 s31, v6  }
.LBB2_18:
0x105: {  	p0 =	sne.s32 s18, $0x9FC3  }
0x106: {  	s17 =	sadd.s32 $0x10, s17  }
.Ltmp9:
0x107: {  	s19 =	sand.u32 $0x3FF0, s17;
	(pc) =	sbr.rel @p0 .LBB2_18-.Ltmp9, $3  }
0x108: {  	[tilespmem:s19+$0x11800] =	vst v7  }
0x109: {  	v7 =	vld.idx.msk [tilespmem:v8+s3+$0x0], $0xffff;
	_ =	sdelay $0x1  }
0x10a: {  	v8 =	vor.u32 s18, v6;
	s18 =	sadd.s32 $0x40, s18  }
0x10b: {  	_ = 	snop  }
0x10c: {  	s17 =	sadd.s32 $0x10, s17  }
0x10d: {  	s18 =	sand.u32 $0x3FF0, s17  }
0x10e: {  	[tilespmem:s18+$0x11800] =	vst v7  }
0x10f: {  	v7 =	vld.idx.msk [tilespmem:v8+s3+$0x0], $0xffff;
	_ =	sdelay $0x2  }
0x110: {  	s16 =	sadd.s32 $0x1, s16;
	s17 =	sadd.s32 $0x10, s17  }
0x111: {  	p0 =	sne.s32 s16, s7;
	s17 =	sand.u32 $0x3FF0, s17  }
.Ltmp10:
0x112: {  	[tilespmem:s17+$0x11800] =	vst v7;
	(pc) =	sbr.rel @p0 .LBB2_1-.Ltmp10, $4  }
0x113: {  	[hbm4b:s6+s3] =	stream.linear.scatter [tilespmem:s14], [sflag:$0x3], $0xA000, $0x38;
	[tilespmem:$0x1C000] =	vst v63  }
0x114: {  	_ =	swait.ge [sflag:s8], $0xA000  }
0x115: {  	[sflag:s8] =	ssyncset.done $0x0  }
0x116: {  	[sflag:s8] =	ssyncadd.s32 $0xFFFF6000  }
0x117: {  	_ =	sfence.sel $0x180000  }
0x118: {  	[bflag:$0x0] =	sbarrier.arrive $0xFFFF  }
0x119: {  	p0 =	sne.s32 s0, $0x0;
	_ =	strace $0x9000004D  }
0x11a: {  	s0 =	sadd.s32 @!p0 $0x100000, s1;
	[bflag:$0x2] =	sbarrier.arrive $0xFFFF  }
0x11b: {  	[sflag:s0] =	ssyncadd.tile.s32 @!p0 $0x1;
	_ =	shalt  }
.Lfunc_end2:
_tile_overlayer_lowered:
.L_overlay_start_2:
0x11c: {  	(tag) =	ssettag $0x2  }
0x11d: {  	s0 =	rddreg [dreg:$0x0];
	s2 =	stileid.u32  }
0x11e: {  	s1 =	rddreg [dreg:$0x1];
	p0 =	sne.s32 s2, $0x0  }
0x11f: {  	s3 =	rddreg [dreg:$0x2];
	[bflag:$0x3] =	sbarrier.arrive $0xFFFF;
	s2 =	simm.s32 @!p0 $0x1C03  }
0x120: {  	[timem:s3], [sflag:s2] =	dma.local @!p0 [hbm:s0], s1  }
0x121: {  	s0 =	simm.s32 @!p0 $0x3  }
0x122: {  	_ =	swait.ge @!p0 [sflag:s0], s1  }
0x123: {  	s1 =	ssub.s32 @!p0 $0x0, s1;
	[sflag:s0] =	ssyncset.done @!p0 $0x0  }
0x124: {  	[sflag:s0] =	ssyncadd.s32 @!p0 s1  }
0x125: {  	[bflag:$0x3] =	sbarrier.arrive $0xFFFF  }
0x126: {  	_ =	shalt  }

// kernel: kernel.9.cloned.1.call-start
scs
__scs_entry_jumppad:
0x0: {  	(pc) =	sbr.rel $0x88, $3  }
0x1: {  	(tag) =	ssettag $0x0;
	lr =	simm.s32 $0x1  }
0x2: {  	[smem:$0x3F9B] =	sst lr;
	_ =	strace $0xD0000000  }
0x3: {  	_ = 	snop  }
0x4: {  	_ = 	snop  }
0x5: {  	_ = 	snop  }
0x6: {  	_ = 	snop  }
0x7: {  	_ = 	snop  }
__scs_overlays_trampoline_lowered:
0x8: {  	[smem:$0x3FAA] =	sst s0  }
0x9: {  	[smem:$0x3FAB] =	sst s1  }
0xa: {  	[smem:$0x3FAC] =	sst s2  }
0xb: {  	[smem:$0x3FAD] =	sst s3  }
0xc: {  	[smem:$0x3FAE] =	sst s4  }
0xd: {  	[smem:$0x3FAF] =	sst s5  }
0xe: {  	[smem:$0x3FB0] =	sst s6  }
0xf: {  	[smem:$0x3FB1] =	sst s7  }
0x10: {  	[smem:$0x3FB2] =	sst s8  }
0x11: {  	[smem:$0x3FB3] =	sst s9;
	s0 =	simm.s32 @!p0 $0x0  }
0x12: {  	s1 =	sld [smem:$0x3F99];
	s0 =	simm.s32 @p0 $0x1  }
0x13: {  	[smem:$0x3FB4] =	sst s0;
	s0 =	simm.s32 @!p1 $0x0  }
0x14: {  	s2 =	sld [smem:$0x3F98];
	s0 =	simm.s32 @p1 $0x1  }
0x15: {  	[smem:$0x3FB5] =	sst s0;
	s0 =	simm.s32 @!p2 $0x0  }
0x16: {  	s3 =	sld [smem:$0x3FDB];
	s0 =	simm.s32 @p2 $0x1  }
0x17: {  	s4 =	simm.s32 $0x1BF5;
	[smem:$0x3FB7] =	sst s0  }
0x18: {  	s0 =	sld [smem:$0x3F9A];
	_ =	swait.ge [sflag:s4], $0x0  }
0x19: {  	s7 =	sld [smem:$0x3F9B]  }
0x1a: {  	s8 =	sadd.s32 $0xFFFFE003, lr  }
0x1b: {  	s9 =	sadd.s32 $0xFFFFFEF7, lr;
	s5 =	simm.s32 $0xFFFFFFFF;
	p2 =	slt.u32 s8, $0xFFFFF086  }
0x1c: {  	p1 =	slt.u32 s9, $0xF7A;
	s5 =	simm.s32 @!p2 $0x0  }
0x1d: {  	s5 =	simm.s32 @p1 $0x1;
	p0 =	seq.s32 s7, s2  }
0x1e: {  	s7 =	smul.u32 @!p0 $0xF7A, s2;
	p2 =	seq.s32 @!p0 s5, $0x0  }
0x1f: {  	s9 =	smul.u32 $0xF7A, s1;
	s8 =	simm.s32 @!p0 $0x1BF5;
	p2 =	por !p2, p0  }
0x20: {  	[sflag:s8] =	ssyncset.s32 @!p0 $0xFFFFF086;
	s6 =	sadd.s32 @!p0 s3, s7;
	s7 =	simm.s32 @!p0 $0x108  }
0x21: {  	s3 =	sadd.s32 s3, s9;
	s6 =	sadd.s32 @!p0 $0x88, s6;
	s7 =	simm.s32 @p2 $0x1082  }
0x22: {  	[simem:s7], [sflag:s8] =	dma.local @!p0 [hbm:s6], $0xF7A  }
0x23: {  	s9 =	sor.u32 $0xD0000000, s2;
	s6 =	simm.s32 $0x108;
	_ =	swait.ge @!p0 [sflag:s8], $0x0  }
0x24: {  	s3 =	sadd.s32 $0x88, s3;
	s6 =	simm.s32 @!p1 $0x1082;
	[sflag:s4] =	ssyncset.s32 $0xFFFFF086  }
0x25: {  	[simem:s6], [sflag:s4] =	dma.local [hbm:s3], $0xF7A  }
0x26: {  	[smem:$0x3F9B] =	sst s1;
	(tag) =	ssettag s2;
	_ =	strace s9  }
0x27: {  	s1 =	sld [smem:$0x3FAB]  }
0x28: {  	s2 =	sld [smem:$0x3FAC]  }
0x29: {  	s4 =	sld [smem:$0x3FAE]  }
0x2a: {  	p0 =	seq.s32 s5, $0x0;
	s5 =	sld [smem:$0x3FAF]  }
0x2b: {  	s6 =	sld [smem:$0x3FB0]  }
0x2c: {  	s7 =	sld [smem:$0x3FB1]  }
0x2d: {  	s3 =	simm.s32 $0x108;
	s8 =	sld [smem:$0x3FB2]  }
0x2e: {  	s3 =	simm.s32 @!p0 $0x1082;
	s9 =	sld [smem:$0x3FB3]  }
0x2f: {  	lr =	sadd.s32 s0, s3;
	s0 =	sld [smem:$0x3FAA]  }
0x30: {  	s3 =	sld [smem:$0x3FAD]  }
0x31: {  	[smem:$0x3FB6] =	sst s10  }
0x32: {  	s10 =	sld [smem:$0x3FB4];
	_ =	sdelay $0x3  }
0x33: {  	p0 =	seq.s32 s10, $0x1;
	s10 =	sld [smem:$0x3FB6];
	_ =	sdelay $0x3  }
0x34: {  	[smem:$0x3FB6] =	sst s10  }
0x35: {  	s10 =	sld [smem:$0x3FB5];
	_ =	sdelay $0x3  }
0x36: {  	p1 =	seq.s32 s10, $0x1;
	s10 =	sld [smem:$0x3FB6];
	_ =	sdelay $0x3  }
0x37: {  	[smem:$0x3FB6] =	sst s10  }
0x38: {  	s10 =	sld [smem:$0x3FB7]  }
0x39: {  	_ = 	snop;
	(pc) =	sbr.ind lr, $3  }
0x3a: {  	_ = 	snop  }
0x3b: {  	_ = 	snop  }
0x3c: {  	p2 =	seq.s32 s10, $0x1;
	s10 =	sld [smem:$0x3FB6]  }
0x3d: {  	_ =	shalt  }
0x3e: {  	_ =	shalt  }
0x3f: {  	_ =	shalt  }
0x40: {  	_ =	shalt  }
0x41: {  	_ =	shalt  }
0x42: {  	_ =	shalt  }
0x43: {  	_ =	shalt  }
0x44: {  	_ =	shalt  }
0x45: {  	_ =	shalt  }
0x46: {  	_ =	shalt  }
0x47: {  	_ =	shalt  }
0x48: {  	_ =	shalt  }
0x49: {  	_ =	shalt  }
0x4a: {  	_ =	shalt  }
0x4b: {  	_ =	shalt  }
0x4c: {  	_ =	shalt  }
0x4d: {  	_ =	shalt  }
0x4e: {  	_ =	shalt  }
0x4f: {  	_ =	shalt  }
0x50: {  	_ =	shalt  }
0x51: {  	_ =	shalt  }
0x52: {  	_ =	shalt  }
0x53: {  	_ =	shalt  }
0x54: {  	_ =	shalt  }
0x55: {  	_ =	shalt  }
0x56: {  	_ =	shalt  }
0x57: {  	_ =	shalt  }
0x58: {  	_ =	shalt  }
0x59: {  	_ =	shalt  }
0x5a: {  	_ =	shalt  }
0x5b: {  	_ =	shalt  }
0x5c: {  	_ =	shalt  }
0x5d: {  	_ =	shalt  }
0x5e: {  	_ =	shalt  }
0x5f: {  	_ =	shalt  }
0x60: {  	_ =	shalt  }
0x61: {  	_ =	shalt  }
0x62: {  	_ =	shalt  }
0x63: {  	_ =	shalt  }
0x64: {  	_ =	shalt  }
0x65: {  	_ =	shalt  }
0x66: {  	_ =	shalt  }
0x67: {  	_ =	shalt  }
0x68: {  	_ =	shalt  }
0x69: {  	_ =	shalt  }
0x6a: {  	_ =	shalt  }
0x6b: {  	_ =	shalt  }
0x6c: {  	_ =	shalt  }
0x6d: {  	_ =	shalt  }
0x6e: {  	_ =	shalt  }
0x6f: {  	_ =	shalt  }
0x70: {  	_ =	shalt  }
0x71: {  	_ =	shalt  }
0x72: {  	_ =	shalt  }
0x73: {  	_ =	shalt  }
0x74: {  	_ =	shalt  }
0x75: {  	_ =	shalt  }
0x76: {  	_ =	shalt  }
0x77: {  	_ =	shalt  }
0x78: {  	_ =	shalt  }
0x79: {  	_ =	shalt  }
0x7a: {  	_ =	shalt  }
0x7b: {  	_ =	shalt  }
0x7c: {  	_ =	shalt  }
0x7d: {  	_ =	shalt  }
0x7e: {  	_ =	shalt  }
0x7f: {  	_ =	shalt  }
0x80: {  	_ =	shalt  }
0x81: {  	_ =	shalt  }
0x82: {  	_ =	shalt  }
0x83: {  	_ =	shalt  }
0x84: {  	_ =	shalt  }
0x85: {  	_ =	shalt  }
0x86: {  	_ =	shalt  }
0x87: {  	_ =	shalt  }
.Lfunc_end0:
.L_simem_size_0:
called_computation_lowered:
.L_overlay_start_0:
0x88: {  	s2 =	sld [smem:$0x3FD9]  }
0x89: {  	s3 =	sld [smem:$0x3FFE];
	_ =	sdelay $0x1  }
0x8a: {  	s1 =	srdreg.scid  }
0x8b: {  	s0 =	sand.u32 $0x1, s1  }
0x8c: {  	s17 =	sshll.u32 s0, $0xA;
	s2 =	sadd.s32 s3, s2  }
0x8d: {  	s2 =	sadd.s32 s2, s17  }
0x8e: {  	[smem:$0x3FC2] =	sst s2  }
0x8f: {  	_ = 	snop  }
0x90: {  	s2 =	sld [smem:$0x3FD0];
	(tm) =	ssettm $0x1  }
0x91: {  	s18 =	sld [smem:$0x3FFB];
	_ =	sdelay $0x3  }
0x92: {  	_ =	strace s18  }
0x93: {  	s3 =	sld [smem:$0x3FFC];
	_ =	sdelay $0x3  }
0x94: {  	_ =	strace s3  }
0x95: {  	s3 =	sld [smem:$0x3FFD];
	_ =	sdelay $0x3  }
0x96: {  	_ =	strace s3  }
0x97: {  	_ =	strace $0x8FFFFFFF  }
0x98: {  	s19 =	sld [smem:$0x3FDB];
	_ =	sdelay $0x1  }
0x99: {  	s4 =	simm.s32 $_scs_section_size  }
0x9a: {  	s5 =	simm.s32 $_size__tile_overlayer_lowered;
	s6 =	simm.s32 $_tile_overlayer_lowered  }
0x9b: {  	s22 =	simm.s32 $0x1BFF;
	s21 =	sshll.u32 s6, $0x1;
	s3 =	sadd.s32 s4, s19  }
0x9c: {  	s7 =	simm.s32 $0x0;
	s20 =	sshll.u32 s5, $0x1;
	s5 =	sadd.s32 s21, s3  }
0x9d: {  	[timem:s7], [sflag:s22] =	dma.local [hbm:s5], s20  }
0x9e: {  	_ =	swait.ge [sflag:s22], s20  }
0x9f: {  	s4 =	ssub.s32 $0x0, s20;
	[sflag:s22] =	ssyncset.done $0x0  }
0xa0: {  	[sflag:s22] =	ssyncadd.s32 s4;
	_ =	sdelay $0x1  }
0xa1: {  	s23 =	simm.s32 $0x1B8B  }
0xa2: {  	_ =	swait.ge [sflag:s23], $0x1  }
0xa3: {  	[sflag:s23] =	ssyncset.done $0x0  }
0xa4: {  	s25 =	simm.s32 $0x1B8E;
	s24 =	sld [smem:$0x3FFE];
	[sflag:s23] =	ssyncadd.s32 $0xFFFFFFFF  }
0xa5: {  	s26 =	simm.s32 $execute0_lowered;
	[smem:$0x3FD2] =	sst s25  }
0xa6: {  	s5 =	sshll.u32 s26, $0x1;
	_ =	strace $0x80000046;
	[dreg:$0x1] =	wrdreg $0xFFFFFFFF  }
0xa7: {  	s28 =	simm.s32 $_size_execute0_lowered;
	s3 =	sadd.s32 s3, s5;
	[dreg:$0x0] =	wrdreg $0x0  }
0xa8: {  	s5 =	sshll.u32 s28, $0x1;
	[dreg:$0x2] =	wrdreg s3  }
0xa9: {  	[dreg:$0x3] =	wrdreg s5  }
0xaa: {  	[dreg:$0x4] =	wrdreg $0xC0  }
0xab: {  	_ =	task [dreg:s7], $0x5FFFF  }
0xac: {  	[dreg:$0x1] =	wrdreg $0xFFFFFFFF  }
0xad: {  	[dreg:$0x0] =	wrdreg $0x60  }
0xae: {  	[dreg:$0x2] =	wrdreg s2  }
0xaf: {  	[dreg:$0x3] =	wrdreg s24  }
0xb0: {  	[dreg:$0x4] =	wrdreg $0x9  }
0xb1: {  	_ =	task.clear_ibuf [dreg:s7], $0x5FFFF;
	_ =	strace $0x90000046  }
0xb2: {  	s29 =	simm.s32 $0x9;
	_ =	strace $0x80000048  }
0xb3: {  	_ =	swait.ge [sflag:s29], $0x1  }
0xb4: {  	[sflag:s29] =	ssyncadd.s32 $0xFFFFFFFF  }
0xb5: {  	_ =	strace $0x90000048  }
0xb6: {  	_ =	sfence  }
0xb7: {  	s30 =	sld [smem:$0x0];
	_ =	sdelay $0x2  }
0xb8: {  	s31 =	sshll.u32 s1, $0xD;
	s1 =	sshrl.u32 s1, $0x2  }
0xb9: {  	s3 =	sand.u32 $0x4000, s31;
	s1 =	sadd.s32 s1, s30  }
0xba: {  	s0 =	sor.u32 s3, s0;
	s1 =	sshll.u32 s1, $0x11  }
0xbb: {  	s0 =	sor.u32 s1, s0  }
0xbc: {  	s0 =	sadd.s32 $0x8F2B, s0  }
0xbd: {  	[sflag:s0] =	ssyncadd.remote.s32 $0x1  }
0xbe: {  	_ =	sfence.sel $0xFFFF  }
0xbf: {  	[dreg:$0x0] =	wrdreg $0xFFFFFFFF;
	(pc) =	sbr.abs _section_cstart, $3  }
0xc0: {  	[dreg:$0x1] =	wrdreg $0xFFFFFFFF  }
0xc1: {  	_ =	task.clear_ibuf [dreg:s7], $0x2FFFF;
	_ =	strace $0x9FFFFFFF  }
0xc2: {  	(tm) =	ssettm $0x7FFFFFFF  }
0xc3: {  	_ =	shalt  }
tec
execute0_lowered:
.L_overlay_start_1:
0x0: {  	(tag) =	ssettag $0x1  }
0x1: {  	s0 =	srdreg.scid;
	s3 =	rddreg [dreg:$0x0]  }
0x2: {  	s5 =	rddreg [dreg:$0x1];
	s4 =	sand.u32 $0x1, s0  }
0x3: {  	s1 =	stileid.u32;
	s8 =	simm.s32 $0x0;
	s2 =	sshll.u32 s4, $0x4  }
0x4: {  	s4 =	ssub.s32 $0x2, s4;
	s6 =	sor.u32 s1, s2;
	s2 =	simm.s32 $0x0  }
0x5: {  	s7 =	sshrl.u32 s4, $0x1;
	s6 =	smul.u32 $0x500, s6;
	[smem:$0x7FF] =	sst s2  }
0x6: {  	s0 =	rddreg [dreg:$0x2];
	s7 =	ssub.s32 s4, s7;
	_ =	strace $0x80000047  }
0x7: {  	s5 =	sadd.s32 s6, s5;
	s3 =	sadd.s32 s3, s6;
	s6 =	simm.s32 $0x1  }
0x8: {  	v0 =	vimm.f32 $0.0e+00;
	v1 =	vimm.f32 $1.000000000e+00;
	s4 =	sadd.s32 $0x2800, s5;
	s5 =	smax.u32 s7, $0x1;
	s7 =	simm.s32 $0x2800  }
.LBB2_1:
0x9: {  	[tilespmem:s2], [sflag:$0x1] =	stream.linear.gather [hbm4b:s3+s2], $0x2800, $0x38;
	[tilespmem:$0x5000] =	vst v63  }
0xa: {  	_ =	swait.ge [sflag:s6], $0x2800  }
0xb: {  	[sflag:s6] =	ssyncset.done $0x0  }
0xc: {  	s9 =	simm.s32 $0x0;
	[sflag:s6] =	ssyncadd.s32 $0xFFFFD800  }
.LBB2_2:
0xd: {  	p0 =	sne.s32 s9, $0x9FC0  }
.Ltmp0:
0xe: {  	_ = 	snop;
	(pc) =	sbr.rel @p0 .LBB2_2-.Ltmp0, $3  }
0xf: {  	_ =	sdelay $0x1  }
0x10: {  	s10 =	sshra.s32 s9, $0x2  }
0x11: {  	s9 =	sadd.s32 $0x40, s9;
	[tilespmem:s10+$0x2800] =	vst v0  }
0x12: {  	s10 =	simm.s32 $0x0;
	s9 =	simm.s32 $0x40  }
.LBB2_4:
0x13: {  	p0 =	sne.s32 s9, $0x9FC0;
	v2 =	vld [tilespmem:s10+$0x0];
	_ =	sdelay $0x3  }
.Ltmp1:
0x14: {  	(pc) =	sbr.rel @p0 .LBB2_4-.Ltmp1, $2  }
0x15: {  	_ =	sdelay $0x2  }
0x16: {  	s10 =	sshra.s32 s9, $0x2;
	s9 =	sadd.s32 $0x40, s9;
	[tilespmem:v2+s7+$0x0] =	vst.idx.add.f32.msk $0xffff, v1  }
0x17: {  	v2 =	vld [tilespmem:s10+$0x0];
	_ =	sdelay $0x5  }
0x18: {  	s8 =	sadd.s32 $0x1, s8  }
0x19: {  	p0 =	sne.s32 s8, s5  }
.Ltmp2:
0x1a: {  	[tilespmem:v2+s7+$0x0] =	vst.idx.add.f32.msk $0xffff, v1;
	(pc) =	sbr.rel @p0 .LBB2_1-.Ltmp2, $4  }
0x1b: {  	[hbm4b:s4+s2] =	stream.linear.scatter [tilespmem:s7], [sflag:$0x1], $0x2800, $0x38;
	[tilespmem:$0x5000] =	vst v63  }
0x1c: {  	_ =	swait.ge [sflag:s6], $0x2800  }
0x1d: {  	[sflag:s6] =	ssyncset.done $0x0  }
0x1e: {  	[sflag:s6] =	ssyncadd.s32 $0xFFFFD800  }
0x1f: {  	_ =	sfence.sel $0x180000  }
0x20: {  	[bflag:$0x0] =	sbarrier.arrive $0xFFFF  }
0x21: {  	p0 =	sne.s32 s1, $0x0;
	_ =	strace $0x90000047  }
0x22: {  	s0 =	sadd.s32 @!p0 $0x100000, s0;
	[bflag:$0x2] =	sbarrier.arrive $0xFFFF  }
0x23: {  	[sflag:s0] =	ssyncadd.tile.s32 @!p0 $0x1;
	_ =	shalt  }
.Lfunc_end2:
_tile_overlayer_lowered:
.L_overlay_start_2:
0x24: {  	(tag) =	ssettag $0x2  }
0x25: {  	s0 =	rddreg [dreg:$0x0];
	s2 =	stileid.u32  }
0x26: {  	s1 =	rddreg [dreg:$0x1];
	p0 =	sne.s32 s2, $0x0  }
0x27: {  	s3 =	rddreg [dreg:$0x2];
	[bflag:$0x3] =	sbarrier.arrive $0xFFFF;
	s2 =	simm.s32 @!p0 $0x1C01  }
0x28: {  	[timem:s3], [sflag:s2] =	dma.local @!p0 [hbm:s0], s1  }
0x29: {  	s0 =	simm.s32 @!p0 $0x1  }
0x2a: {  	_ =	swait.ge @!p0 [sflag:s0], s1  }
0x2b: {  	s1 =	ssub.s32 @!p0 $0x0, s1;
	[sflag:s0] =	ssyncset.done @!p0 $0x0  }
0x2c: {  	[sflag:s0] =	ssyncadd.s32 @!p0 s1  }
0x2d: {  	[bflag:$0x3] =	sbarrier.arrive $0xFFFF  }
0x2e: {  	_ =	shalt  }

</sc_bundles>
